<compile_context>
chip_gen: v7x
topology: tpu7x:2x2x1
jax: 0.10.2.dev20260603
libtpu: 0.0.44.dev20260713+nightly
codegen_flags: <defaults>
</compile_context>

<pallas_src>
import functools

import jax
import jax.numpy as jnp
from jax import lax
from jax.experimental import pallas as pl
from jax.experimental.pallas import tpu as pltpu
from jax.experimental.pallas import tpu_sc as plsc

N_NODES = 100000
D = 128
B_SEG = 2048
HIDDEN = 64
OUT_DIM = 2

NC, NS = 2, 16
NW = NC * NS
UNIT = 128
NSLOT = 6
N_UNITS = N_NODES // UNIT
TAIL_B = N_UNITS * UNIT
TAIL_B_LEN = N_NODES - TAIL_B
MAXK = (N_UNITS + NW - 1) // NW
ROWS_PER_TILE = B_SEG // NS
MLP_BLK = 512

_mesh = plsc.VectorSubcoreMesh(
    core_axis_name="c", subcore_axis_name="s", num_cores=NC, num_subcores=NS
)

_scratch = (
    [pltpu.VMEM((UNIT, D), jnp.float32) for _ in range(NSLOT)] +
    [pltpu.VMEM((1, UNIT), jnp.int32) for _ in range(NSLOT)] +
    [pltpu.VMEM((TAIL_B_LEN,), jnp.int32)] +
    [pltpu.SemaphoreType.DMA for _ in range(2 * NSLOT)] +
    [pltpu.VMEM_SHARED((B_SEG, D), jnp.float32)]
)


@functools.partial(
    pl.kernel,
    out_type=jax.ShapeDtypeStruct((NC, B_SEG, D), jnp.float32),
    mesh=_mesh,
    scratch_types=_scratch,
)
def _segsum_sc(x_hbm, ids_hbm, zeros_hbm, out_hbm,
               xb0, xb1, xb2, xb3, xb4, xb5,
               id0, id1, id2, id3, id4, id5, idxt,
               ds0, ds1, ds2, ds3, ds4, ds5,
               ss0, ss1, ss2, ss3, ss4, ss5, acc):
    xb = (xb0, xb1, xb2, xb3, xb4, xb5)
    idb = (id0, id1, id2, id3, id4, id5)
    dsem = (ds0, ds1, ds2, ds3, ds4, ds5)
    ssem = (ss0, ss1, ss2, ss3, ss4, ss5)

    c = lax.axis_index("c")
    s = lax.axis_index("s")
    w = s * NC + c

    def drain_scatter(i):
        pltpu.make_async_copy(xb[i], acc.at[idb[i].at[0]], ssem[i]).wait()

    def fire_dma(u, i, drain):
        @pl.when(u < N_UNITS)
        def _():
            if drain:
                drain_scatter(i)
            pltpu.async_copy(x_hbm.at[pl.ds(u * UNIT, UNIT), :], xb[i], dsem[i])
            pltpu.async_copy(ids_hbm.at[pl.ds(u * UNIT, UNIT)], idb[i].at[0],
                             dsem[i])

    def process(u, i):
        @pl.when(u < N_UNITS)
        def _():
            pltpu.make_async_copy(x_hbm.at[pl.ds(u * UNIT, UNIT), :],
                                  xb[i], dsem[i]).wait()
            pltpu.make_async_copy(ids_hbm.at[pl.ds(u * UNIT, UNIT)],
                                  idb[i].at[0], dsem[i]).wait()
            pltpu.async_copy(xb[i], acc.at[idb[i].at[0]], ssem[i], add=True)

    PRE = 4

    for k in range(PRE):
        fire_dma(w + k * NW, k % NSLOT, drain=False)

    pltpu.sync_copy(zeros_hbm, acc.at[pl.ds(s * ROWS_PER_TILE, ROWS_PER_TILE), :])
    plsc.subcore_barrier()

    for k in range(NSLOT - PRE):
        process(w + k * NW, k % NSLOT)
        fire_dma(w + (k + PRE) * NW, (k + PRE) % NSLOT, drain=False)

    K0 = NSLOT - PRE
    NBODY = (MAXK - K0) // NSLOT

    def body(e, carry):
        for r in range(NSLOT):
            u = w + (K0 + NSLOT * e + r) * NW
            process(u, (K0 + r) % NSLOT)
            fire_dma(u + PRE * NW, (K0 + r + PRE) % NSLOT, drain=True)
        return carry

    lax.fori_loop(0, NBODY, body, 0)
    for k in range(K0 + NSLOT * NBODY, MAXK):
        process(w + k * NW, k % NSLOT)
        fire_dma(w + (k + PRE) * NW, (k + PRE) % NSLOT, drain=True)

    for k in range(max(0, MAXK - 2 * NSLOT), MAXK):
        u = w + k * NW
        i = k % NSLOT

        @pl.when((u < N_UNITS) & (u + NSLOT * NW >= N_UNITS))
        def _():
            drain_scatter(i)

    @pl.when(w == 1)
    def _():
        pltpu.sync_copy(x_hbm.at[pl.ds(TAIL_B, TAIL_B_LEN), :],
                        xb0.at[pl.ds(0, TAIL_B_LEN), :])
        pltpu.sync_copy(ids_hbm.at[pl.ds(TAIL_B, TAIL_B_LEN)], idxt)
        pltpu.sync_copy(xb0.at[pl.ds(0, TAIL_B_LEN), :], acc.at[idxt], add=True)

    plsc.subcore_barrier()
    sl = pl.ds(s * ROWS_PER_TILE, ROWS_PER_TILE)
    pltpu.sync_copy(acc.at[sl, :], out_hbm.at[c, sl, :])


def _mlp_tc(pool_ref, f_ref, t_ref, w1x_ref, wf_ref, wt_ref, b1_ref, w2_ref,
            b2_ref, out_ref):
    xp = pool_ref[0] + pool_ref[1]
    h = jnp.dot(xp, w1x_ref[...], preferred_element_type=jnp.float32)
    h = h + f_ref[...] * wf_ref[...]
    h = h + t_ref[...] * wt_ref[...]
    h = h + b1_ref[...]
    h = jnp.where(h >= 0, h, 0.01 * h)
    out_ref[...] = (
        jnp.dot(h, w2_ref[...], preferred_element_type=jnp.float32) + b2_ref[...]
    )


def kernel(x, edge_index, batch, feature_index, threshold, W1, b1, W2, b2):
    del edge_index
    ids = batch.astype(jnp.int32)
    zeros = jnp.zeros((ROWS_PER_TILE, D), jnp.float32)
    partials = _segsum_sc(x, ids, zeros)

    w1x = W1[:D]
    wf = W1[D:D + 1]
    wt = W1[D + 1:D + 2]

    return pl.pallas_call(
        _mlp_tc,
        out_shape=jax.ShapeDtypeStruct((B_SEG, OUT_DIM), jnp.float32),
    )(partials, feature_index[:, None], threshold[:, None], w1x, wf, wt,
      b1[None, :], W2, b2[None, :])

# --- scband reference (transcript-rebuilt; emitter-appended) ---
"""Pipeline reference for scband-operator-selection-head-11776800326354 (READ-ONLY COPY).

The authoritative reference and input builder live on the scoring server;
editing this copy changes nothing except your own understanding.
"""

import jax, jax.numpy as jnp
import numpy as np

N_NODES = 100000
N_EDGES = 1600000
D_FEAT = 128
B = 2048
HIDDEN = 64
IN_DIM = D_FEAT + 2
OUT_DIM = 2

def setup_inputs(seed: int = 0) -> dict:
    key = jax.random.key(seed)
    ks = jax.random.split(key, 10)
    x = jax.random.normal(ks[0], (N_NODES, D_FEAT), dtype=jnp.float32)
    edge_index = jax.random.randint(ks[1], (2, N_EDGES), 0, N_NODES, dtype=jnp.int64)
    batch = jnp.sort(jax.random.randint(ks[2], (N_NODES,), 0, B, dtype=jnp.int64))
    feature_index = jax.random.uniform(ks[3], (B,), dtype=jnp.float32)
    threshold = jax.random.normal(ks[4], (B,), dtype=jnp.float32)
    # MLP params (n_layers=2): Linear(130->64), LeakyReLU, Linear(64->2)
    lim1 = 1.0 / np.sqrt(IN_DIM)
    W1 = jax.random.uniform(ks[5], (IN_DIM, HIDDEN), minval=-lim1, maxval=lim1, dtype=jnp.float32)
    b1 = jax.random.uniform(ks[6], (HIDDEN,), minval=-lim1, maxval=lim1, dtype=jnp.float32)
    lim2 = 1.0 / np.sqrt(HIDDEN)
    W2 = jax.random.uniform(ks[7], (HIDDEN, OUT_DIM), minval=-lim2, maxval=lim2, dtype=jnp.float32)
    b2 = jax.random.uniform(ks[8], (OUT_DIM,), minval=-lim2, maxval=lim2, dtype=jnp.float32)
    return {"x": x, "edge_index": edge_index, "batch": batch,
            "feature_index": feature_index, "threshold": threshold,
            "W1": W1, "b1": b1, "W2": W2, "b2": b2}

def reference(x, edge_index, batch, feature_index, threshold, W1, b1, W2, b2):
    # backbone = identity (edge_index unused)
    h = x
    # global_add_pool -> segment sum over graph ids
    x_pool = jax.ops.segment_sum(h, batch, num_segments=B)
    feat = jnp.concatenate([x_pool, feature_index[:, None], threshold[:, None]], axis=1)
    # MLP: Linear -> LeakyReLU(0.01) -> Linear
    h1 = feat @ W1 + b1
    h1 = jnp.where(h1 >= 0, h1, 0.01 * h1)
    out = h1 @ W2 + b2
    return out

if __name__ == "__main__":
    import jax
    _d = setup_inputs()
    print(jax.jit(kernel)(*tuple(_d.values())))

</pallas_src>

<mosaic_0001>
#map = affine_map<(d0, d1) -> (0, 0)>
#map1 = affine_map<(d0, d1) -> (0)>
#map2 = affine_map<(d0, d1) -> (0, 0, 0)>
module attributes {stable_mosaic.version = 14 : i64} {
  func.func @_segsum_sc(%arg0: i32, %arg1: i32, %arg2: memref<100000x128xf32, #tpu.memory_space<hbm>>, %arg3: memref<100000xi32, #tpu.memory_space<hbm>>, %arg4: memref<128x128xf32, #tpu.memory_space<hbm>>, %arg5: memref<2x2048x128xf32, #tpu.memory_space<hbm>>, %arg6: memref<128x128xf32, #tpu.memory_space<vmem>>, %arg7: memref<128x128xf32, #tpu.memory_space<vmem>>, %arg8: memref<128x128xf32, #tpu.memory_space<vmem>>, %arg9: memref<128x128xf32, #tpu.memory_space<vmem>>, %arg10: memref<128x128xf32, #tpu.memory_space<vmem>>, %arg11: memref<128x128xf32, #tpu.memory_space<vmem>>, %arg12: memref<1x128xi32, #tpu.memory_space<vmem>>, %arg13: memref<1x128xi32, #tpu.memory_space<vmem>>, %arg14: memref<1x128xi32, #tpu.memory_space<vmem>>, %arg15: memref<1x128xi32, #tpu.memory_space<vmem>>, %arg16: memref<1x128xi32, #tpu.memory_space<vmem>>, %arg17: memref<1x128xi32, #tpu.memory_space<vmem>>, %arg18: memref<32xi32, #tpu.memory_space<vmem>>, %arg19: memref<!tpu.dma_semaphore, #tpu.memory_space<semaphore_mem>>, %arg20: memref<!tpu.dma_semaphore, #tpu.memory_space<semaphore_mem>>, %arg21: memref<!tpu.dma_semaphore, #tpu.memory_space<semaphore_mem>>, %arg22: memref<!tpu.dma_semaphore, #tpu.memory_space<semaphore_mem>>, %arg23: memref<!tpu.dma_semaphore, #tpu.memory_space<semaphore_mem>>, %arg24: memref<!tpu.dma_semaphore, #tpu.memory_space<semaphore_mem>>, %arg25: memref<!tpu.dma_semaphore, #tpu.memory_space<semaphore_mem>>, %arg26: memref<!tpu.dma_semaphore, #tpu.memory_space<semaphore_mem>>, %arg27: memref<!tpu.dma_semaphore, #tpu.memory_space<semaphore_mem>>, %arg28: memref<!tpu.dma_semaphore, #tpu.memory_space<semaphore_mem>>, %arg29: memref<!tpu.dma_semaphore, #tpu.memory_space<semaphore_mem>>, %arg30: memref<!tpu.dma_semaphore, #tpu.memory_space<semaphore_mem>>, %arg31: memref<2048x128xf32, #tpu.memory_space<vmem_shared>>) attributes {dimension_semantics = [#tpu.dimension_semantics<core_parallel>, #tpu.dimension_semantics<subcore_parallel>], iteration_bounds = array<i64: 2, 16>, scalar_prefetch = 0 : i64, scratch_operands = 26 : i64, tpu.core_type = #tpu.core_type<sc_vector_subcore>, window_params = [{transform_indices = #map}, {transform_indices = #map1}, {transform_indices = #map}, {transform_indices = #map2}]} {
    %mul3A = arith.constant 2 : i32
    %mul3A_0 = arith.muli %arg1, %mul3A : i32
    %add3A = arith.addi %mul3A_0, %arg0 : i32
    %add3A_1 = arith.constant 0 : i32
    %add3A_2 = arith.addi %add3A, %add3A_1 : i32
    %lt3A = arith.constant 781 : i32
    %lt3A_3 = arith.cmpi slt, %add3A_2, %lt3A : i32
    %convert_element_type3A = arith.extui %lt3A_3 : i1 to i32
    %cond3A = arith.constant 0 : i32
    %cond3A_4 = arith.cmpi ne, %convert_element_type3A, %cond3A : i32
    scf.if %cond3A_4 {
      %mul3A_280 = arith.constant 128 : i32
      %mul3A_281 = arith.muli %add3A_2, %mul3A_280 : i32
      %dma_start3A = arith.constant 0 : i32
      %dma_start3A_282 = tpu.memref_slice %arg2[%mul3A_281, %dma_start3A] : memref<100000x128xf32, #tpu.memory_space<hbm>> -> memref<128x128xf32, #tpu.memory_space<hbm>>
      %dma_start3A_283 = arith.constant 0 : i32
      %dma_start3A_284 = tpu.memref_slice %arg2[%mul3A_281, %dma_start3A_283] : memref<100000x128xf32, #tpu.memory_space<hbm>> -> memref<128x128xf32, #tpu.memory_space<hbm>>
      tpu.enqueue_dma source(%dma_start3A_284 : memref<128x128xf32, #tpu.memory_space<hbm>>) target(%arg6 : memref<128x128xf32, #tpu.memory_space<vmem>>) target_semaphore(%arg19 : memref<!tpu.dma_semaphore, #tpu.memory_space<semaphore_mem>>)
      %mul3A_285 = arith.constant 128 : i32
      %mul3A_286 = arith.muli %add3A_2, %mul3A_285 : i32
      %dma_start3A_287 = arith.constant 0 : i32
      %dma_start3A_288 = arith.constant 0 : i32
      %dma_start3A_289 = tpu.memref_slice %arg12[%dma_start3A_287, %dma_start3A_288] : memref<1x128xi32, #tpu.memory_space<vmem>> -> memref<1x128xi32, #tpu.memory_space<vmem>>
      %dma_start3A_290 = tpu.memref_squeeze %dma_start3A_289 : memref<1x128xi32, #tpu.memory_space<vmem>> -> memref<128xi32, #tpu.memory_space<vmem>>
      %dma_start3A_291 = tpu.memref_slice %arg3[%mul3A_286] : memref<100000xi32, #tpu.memory_space<hbm>> -> memref<128xi32, #tpu.memory_space<hbm>>
      %dma_start3A_292 = arith.constant 0 : i32
      %dma_start3A_293 = tpu.memref_slice %arg12[%dma_start3A_287, %dma_start3A_292] : memref<1x128xi32, #tpu.memory_space<vmem>> -> memref<1x128xi32, #tpu.memory_space<vmem>>
      %dma_start3A_294 = tpu.memref_squeeze %dma_start3A_293 : memref<1x128xi32, #tpu.memory_space<vmem>> -> memref<128xi32, #tpu.memory_space<vmem>>
      %dma_start3A_295 = tpu.memref_slice %arg3[%mul3A_286] : memref<100000xi32, #tpu.memory_space<hbm>> -> memref<128xi32, #tpu.memory_space<hbm>>
      tpu.enqueue_dma source(%dma_start3A_295 : memref<128xi32, #tpu.memory_space<hbm>>) target(%dma_start3A_294 : memref<128xi32, #tpu.memory_space<vmem>>) target_semaphore(%arg19 : memref<!tpu.dma_semaphore, #tpu.memory_space<semaphore_mem>>)
    } else {
    }
    %add3A_5 = arith.constant 32 : i32
    %add3A_6 = arith.addi %add3A, %add3A_5 : i32
    %lt3A_7 = arith.constant 781 : i32
    %lt3A_8 = arith.cmpi slt, %add3A_6, %lt3A_7 : i32
    %convert_element_type3A_9 = arith.extui %lt3A_8 : i1 to i32
    %cond3A_10 = arith.constant 0 : i32
    %cond3A_11 = arith.cmpi ne, %convert_element_type3A_9, %cond3A_10 : i32
    scf.if %cond3A_11 {
      %mul3A_280 = arith.constant 128 : i32
      %mul3A_281 = arith.muli %add3A_6, %mul3A_280 : i32
      %dma_start3A = arith.constant 0 : i32
      %dma_start3A_282 = tpu.memref_slice %arg2[%mul3A_281, %dma_start3A] : memref<100000x128xf32, #tpu.memory_space<hbm>> -> memref<128x128xf32, #tpu.memory_space<hbm>>
      %dma_start3A_283 = arith.constant 0 : i32
      %dma_start3A_284 = tpu.memref_slice %arg2[%mul3A_281, %dma_start3A_283] : memref<100000x128xf32, #tpu.memory_space<hbm>> -> memref<128x128xf32, #tpu.memory_space<hbm>>
      tpu.enqueue_dma source(%dma_start3A_284 : memref<128x128xf32, #tpu.memory_space<hbm>>) target(%arg7 : memref<128x128xf32, #tpu.memory_space<vmem>>) target_semaphore(%arg20 : memref<!tpu.dma_semaphore, #tpu.memory_space<semaphore_mem>>)
      %mul3A_285 = arith.constant 128 : i32
      %mul3A_286 = arith.muli %add3A_6, %mul3A_285 : i32
      %dma_start3A_287 = arith.constant 0 : i32
      %dma_start3A_288 = arith.constant 0 : i32
      %dma_start3A_289 = tpu.memref_slice %arg13[%dma_start3A_287, %dma_start3A_288] : memref<1x128xi32, #tpu.memory_space<vmem>> -> memref<1x128xi32, #tpu.memory_space<vmem>>
      %dma_start3A_290 = tpu.memref_squeeze %dma_start3A_289 : memref<1x128xi32, #tpu.memory_space<vmem>> -> memref<128xi32, #tpu.memory_space<vmem>>
      %dma_start3A_291 = tpu.memref_slice %arg3[%mul3A_286] : memref<100000xi32, #tpu.memory_space<hbm>> -> memref<128xi32, #tpu.memory_space<hbm>>
      %dma_start3A_292 = arith.constant 0 : i32
      %dma_start3A_293 = tpu.memref_slice %arg13[%dma_start3A_287, %dma_start3A_292] : memref<1x128xi32, #tpu.memory_space<vmem>> -> memref<1x128xi32, #tpu.memory_space<vmem>>
      %dma_start3A_294 = tpu.memref_squeeze %dma_start3A_293 : memref<1x128xi32, #tpu.memory_space<vmem>> -> memref<128xi32, #tpu.memory_space<vmem>>
      %dma_start3A_295 = tpu.memref_slice %arg3[%mul3A_286] : memref<100000xi32, #tpu.memory_space<hbm>> -> memref<128xi32, #tpu.memory_space<hbm>>
      tpu.enqueue_dma source(%dma_start3A_295 : memref<128xi32, #tpu.memory_space<hbm>>) target(%dma_start3A_294 : memref<128xi32, #tpu.memory_space<vmem>>) target_semaphore(%arg20 : memref<!tpu.dma_semaphore, #tpu.memory_space<semaphore_mem>>)
    } else {
    }
    %add3A_12 = arith.constant 64 : i32
    %add3A_13 = arith.addi %add3A, %add3A_12 : i32
    %lt3A_14 = arith.constant 781 : i32
    %lt3A_15 = arith.cmpi slt, %add3A_13, %lt3A_14 : i32
    %convert_element_type3A_16 = arith.extui %lt3A_15 : i1 to i32
    %cond3A_17 = arith.constant 0 : i32
    %cond3A_18 = arith.cmpi ne, %convert_element_type3A_16, %cond3A_17 : i32
    scf.if %cond3A_18 {
      %mul3A_280 = arith.constant 128 : i32
      %mul3A_281 = arith.muli %add3A_13, %mul3A_280 : i32
      %dma_start3A = arith.constant 0 : i32
      %dma_start3A_282 = tpu.memref_slice %arg2[%mul3A_281, %dma_start3A] : memref<100000x128xf32, #tpu.memory_space<hbm>> -> memref<128x128xf32, #tpu.memory_space<hbm>>
      %dma_start3A_283 = arith.constant 0 : i32
      %dma_start3A_284 = tpu.memref_slice %arg2[%mul3A_281, %dma_start3A_283] : memref<100000x128xf32, #tpu.memory_space<hbm>> -> memref<128x128xf32, #tpu.memory_space<hbm>>
      tpu.enqueue_dma source(%dma_start3A_284 : memref<128x128xf32, #tpu.memory_space<hbm>>) target(%arg8 : memref<128x128xf32, #tpu.memory_space<vmem>>) target_semaphore(%arg21 : memref<!tpu.dma_semaphore, #tpu.memory_space<semaphore_mem>>)
      %mul3A_285 = arith.constant 128 : i32
      %mul3A_286 = arith.muli %add3A_13, %mul3A_285 : i32
      %dma_start3A_287 = arith.constant 0 : i32
      %dma_start3A_288 = arith.constant 0 : i32
      %dma_start3A_289 = tpu.memref_slice %arg14[%dma_start3A_287, %dma_start3A_288] : memref<1x128xi32, #tpu.memory_space<vmem>> -> memref<1x128xi32, #tpu.memory_space<vmem>>
      %dma_start3A_290 = tpu.memref_squeeze %dma_start3A_289 : memref<1x128xi32, #tpu.memory_space<vmem>> -> memref<128xi32, #tpu.memory_space<vmem>>
      %dma_start3A_291 = tpu.memref_slice %arg3[%mul3A_286] : memref<100000xi32, #tpu.memory_space<hbm>> -> memref<128xi32, #tpu.memory_space<hbm>>
      %dma_start3A_292 = arith.constant 0 : i32
      %dma_start3A_293 = tpu.memref_slice %arg14[%dma_start3A_287, %dma_start3A_292] : memref<1x128xi32, #tpu.memory_space<vmem>> -> memref<1x128xi32, #tpu.memory_space<vmem>>
      %dma_start3A_294 = tpu.memref_squeeze %dma_start3A_293 : memref<1x128xi32, #tpu.memory_space<vmem>> -> memref<128xi32, #tpu.memory_space<vmem>>
      %dma_start3A_295 = tpu.memref_slice %arg3[%mul3A_286] : memref<100000xi32, #tpu.memory_space<hbm>> -> memref<128xi32, #tpu.memory_space<hbm>>
      tpu.enqueue_dma source(%dma_start3A_295 : memref<128xi32, #tpu.memory_space<hbm>>) target(%dma_start3A_294 : memref<128xi32, #tpu.memory_space<vmem>>) target_semaphore(%arg21 : memref<!tpu.dma_semaphore, #tpu.memory_space<semaphore_mem>>)
    } else {
    }
    %add3A_19 = arith.constant 96 : i32
    %add3A_20 = arith.addi %add3A, %add3A_19 : i32
    %lt3A_21 = arith.constant 781 : i32
    %lt3A_22 = arith.cmpi slt, %add3A_20, %lt3A_21 : i32
    %convert_element_type3A_23 = arith.extui %lt3A_22 : i1 to i32
    %cond3A_24 = arith.constant 0 : i32
    %cond3A_25 = arith.cmpi ne, %convert_element_type3A_23, %cond3A_24 : i32
    scf.if %cond3A_25 {
      %mul3A_280 = arith.constant 128 : i32
      %mul3A_281 = arith.muli %add3A_20, %mul3A_280 : i32
      %dma_start3A = arith.constant 0 : i32
      %dma_start3A_282 = tpu.memref_slice %arg2[%mul3A_281, %dma_start3A] : memref<100000x128xf32, #tpu.memory_space<hbm>> -> memref<128x128xf32, #tpu.memory_space<hbm>>
      %dma_start3A_283 = arith.constant 0 : i32
      %dma_start3A_284 = tpu.memref_slice %arg2[%mul3A_281, %dma_start3A_283] : memref<100000x128xf32, #tpu.memory_space<hbm>> -> memref<128x128xf32, #tpu.memory_space<hbm>>
      tpu.enqueue_dma source(%dma_start3A_284 : memref<128x128xf32, #tpu.memory_space<hbm>>) target(%arg9 : memref<128x128xf32, #tpu.memory_space<vmem>>) target_semaphore(%arg22 : memref<!tpu.dma_semaphore, #tpu.memory_space<semaphore_mem>>)
      %mul3A_285 = arith.constant 128 : i32
      %mul3A_286 = arith.muli %add3A_20, %mul3A_285 : i32
      %dma_start3A_287 = arith.constant 0 : i32
      %dma_start3A_288 = arith.constant 0 : i32
      %dma_start3A_289 = tpu.memref_slice %arg15[%dma_start3A_287, %dma_start3A_288] : memref<1x128xi32, #tpu.memory_space<vmem>> -> memref<1x128xi32, #tpu.memory_space<vmem>>
      %dma_start3A_290 = tpu.memref_squeeze %dma_start3A_289 : memref<1x128xi32, #tpu.memory_space<vmem>> -> memref<128xi32, #tpu.memory_space<vmem>>
      %dma_start3A_291 = tpu.memref_slice %arg3[%mul3A_286] : memref<100000xi32, #tpu.memory_space<hbm>> -> memref<128xi32, #tpu.memory_space<hbm>>
      %dma_start3A_292 = arith.constant 0 : i32
      %dma_start3A_293 = tpu.memref_slice %arg15[%dma_start3A_287, %dma_start3A_292] : memref<1x128xi32, #tpu.memory_space<vmem>> -> memref<1x128xi32, #tpu.memory_space<vmem>>
      %dma_start3A_294 = tpu.memref_squeeze %dma_start3A_293 : memref<1x128xi32, #tpu.memory_space<vmem>> -> memref<128xi32, #tpu.memory_space<vmem>>
      %dma_start3A_295 = tpu.memref_slice %arg3[%mul3A_286] : memref<100000xi32, #tpu.memory_space<hbm>> -> memref<128xi32, #tpu.memory_space<hbm>>
      tpu.enqueue_dma source(%dma_start3A_295 : memref<128xi32, #tpu.memory_space<hbm>>) target(%dma_start3A_294 : memref<128xi32, #tpu.memory_space<vmem>>) target_semaphore(%arg22 : memref<!tpu.dma_semaphore, #tpu.memory_space<semaphore_mem>>)
    } else {
    }
    %mul3A_26 = arith.constant 128 : i32
    %mul3A_27 = arith.muli %arg1, %mul3A_26 : i32
    "tpu.region"() ({
      %run_scoped3A = tpu.sem_alloc : memref<!tpu.dma_semaphore, #tpu.memory_space<semaphore_mem>>
      %dma_start3A = arith.constant 0 : i32
      %dma_start3A_280 = tpu.memref_slice %arg31[%mul3A_27, %dma_start3A] : memref<2048x128xf32, #tpu.memory_space<vmem_shared>> -> memref<128x128xf32, #tpu.memory_space<vmem_shared>>
      tpu.enqueue_dma source(%arg4 : memref<128x128xf32, #tpu.memory_space<hbm>>) target(%dma_start3A_280 : memref<128x128xf32, #tpu.memory_space<vmem_shared>>) target_semaphore(%run_scoped3A : memref<!tpu.dma_semaphore, #tpu.memory_space<semaphore_mem>>)
      %dma_wait3A = arith.constant 0 : i32
      %dma_wait3A_281 = tpu.memref_slice %arg31[%mul3A_27, %dma_wait3A] : memref<2048x128xf32, #tpu.memory_space<vmem_shared>> -> memref<128x128xf32, #tpu.memory_space<vmem_shared>>
      tpu.wait_dma2 semaphore(%run_scoped3A : memref<!tpu.dma_semaphore, #tpu.memory_space<semaphore_mem>>) src(%arg4 : memref<128x128xf32, #tpu.memory_space<hbm>>) dst(%dma_wait3A_281 : memref<128x128xf32, #tpu.memory_space<vmem_shared>>)
      tpu.yield
    }) : () -> ()
    %barrier3A = arith.constant 0 : index
    tpu.barrier barrier_id(%barrier3A)
    %add3A_28 = arith.constant 0 : i32
    %add3A_29 = arith.addi %add3A, %add3A_28 : i32
    %lt3A_30 = arith.constant 781 : i32
    %lt3A_31 = arith.cmpi slt, %add3A_29, %lt3A_30 : i32
    %convert_element_type3A_32 = arith.extui %lt3A_31 : i1 to i32
    %cond3A_33 = arith.constant 0 : i32
    %cond3A_34 = arith.cmpi ne, %convert_element_type3A_32, %cond3A_33 : i32
    scf.if %cond3A_34 {
      %mul3A_280 = arith.constant 128 : i32
      %mul3A_281 = arith.muli %add3A_29, %mul3A_280 : i32
      %dma_wait3A = arith.constant 0 : i32
      %dma_wait3A_282 = tpu.memref_slice %arg2[%mul3A_281, %dma_wait3A] : memref<100000x128xf32, #tpu.memory_space<hbm>> -> memref<128x128xf32, #tpu.memory_space<hbm>>
      %dma_wait3A_283 = arith.constant 0 : i32
      %dma_wait3A_284 = tpu.memref_slice %arg2[%mul3A_281, %dma_wait3A_283] : memref<100000x128xf32, #tpu.memory_space<hbm>> -> memref<128x128xf32, #tpu.memory_space<hbm>>
      tpu.wait_dma2 semaphore(%arg19 : memref<!tpu.dma_semaphore, #tpu.memory_space<semaphore_mem>>) src(%dma_wait3A_284 : memref<128x128xf32, #tpu.memory_space<hbm>>) dst(%arg6 : memref<128x128xf32, #tpu.memory_space<vmem>>)
      %mul3A_285 = arith.constant 128 : i32
      %mul3A_286 = arith.muli %add3A_29, %mul3A_285 : i32
      %dma_wait3A_287 = arith.constant 0 : i32
      %dma_wait3A_288 = arith.constant 0 : i32
      %dma_wait3A_289 = tpu.memref_slice %arg12[%dma_wait3A_287, %dma_wait3A_288] : memref<1x128xi32, #tpu.memory_space<vmem>> -> memref<1x128xi32, #tpu.memory_space<vmem>>
      %dma_wait3A_290 = tpu.memref_squeeze %dma_wait3A_289 : memref<1x128xi32, #tpu.memory_space<vmem>> -> memref<128xi32, #tpu.memory_space<vmem>>
      %dma_wait3A_291 = tpu.memref_slice %arg3[%mul3A_286] : memref<100000xi32, #tpu.memory_space<hbm>> -> memref<128xi32, #tpu.memory_space<hbm>>
      %dma_wait3A_292 = arith.constant 0 : i32
      %dma_wait3A_293 = tpu.memref_slice %arg12[%dma_wait3A_287, %dma_wait3A_292] : memref<1x128xi32, #tpu.memory_space<vmem>> -> memref<1x128xi32, #tpu.memory_space<vmem>>
      %dma_wait3A_294 = tpu.memref_squeeze %dma_wait3A_293 : memref<1x128xi32, #tpu.memory_space<vmem>> -> memref<128xi32, #tpu.memory_space<vmem>>
      %dma_wait3A_295 = tpu.memref_slice %arg3[%mul3A_286] : memref<100000xi32, #tpu.memory_space<hbm>> -> memref<128xi32, #tpu.memory_space<hbm>>
      tpu.wait_dma2 semaphore(%arg19 : memref<!tpu.dma_semaphore, #tpu.memory_space<semaphore_mem>>) src(%dma_wait3A_295 : memref<128xi32, #tpu.memory_space<hbm>>) dst(%dma_wait3A_294 : memref<128xi32, #tpu.memory_space<vmem>>)
      %dma_start3A = arith.constant 0 : i32
      %dma_start3A_296 = arith.constant 0 : i32
      %dma_start3A_297 = tpu.memref_slice %arg12[%dma_start3A, %dma_start3A_296] : memref<1x128xi32, #tpu.memory_space<vmem>> -> memref<1x128xi32, #tpu.memory_space<vmem>>
      %dma_start3A_298 = tpu.memref_squeeze %dma_start3A_297 : memref<1x128xi32, #tpu.memory_space<vmem>> -> memref<128xi32, #tpu.memory_space<vmem>>
      %dma_start3A_299 = arith.constant 0 : i32
      %dma_start3A_300 = arith.constant 0 : i32
      %dma_start3A_301 = tpu.memref_slice %arg31[%dma_start3A_299, %dma_start3A_300] : memref<2048x128xf32, #tpu.memory_space<vmem_shared>> -> memref<2048x128xf32, #tpu.memory_space<vmem_shared>>
      tpu.enqueue_indirect_dma source(%arg6 : memref<128x128xf32, #tpu.memory_space<vmem>>) target(%dma_start3A_301 : memref<2048x128xf32, #tpu.memory_space<vmem_shared>>) offsets(%dma_start3A_298 : memref<128xi32, #tpu.memory_space<vmem>>) semaphore(%arg25 : memref<!tpu.dma_semaphore, #tpu.memory_space<semaphore_mem>>) {add = true}
    } else {
    }
    %add3A_35 = arith.constant 128 : i32
    %add3A_36 = arith.addi %add3A, %add3A_35 : i32
    %lt3A_37 = arith.constant 781 : i32
    %lt3A_38 = arith.cmpi slt, %add3A_36, %lt3A_37 : i32
    %convert_element_type3A_39 = arith.extui %lt3A_38 : i1 to i32
    %cond3A_40 = arith.constant 0 : i32
    %cond3A_41 = arith.cmpi ne, %convert_element_type3A_39, %cond3A_40 : i32
    scf.if %cond3A_41 {
      %mul3A_280 = arith.constant 128 : i32
      %mul3A_281 = arith.muli %add3A_36, %mul3A_280 : i32
      %dma_start3A = arith.constant 0 : i32
      %dma_start3A_282 = tpu.memref_slice %arg2[%mul3A_281, %dma_start3A] : memref<100000x128xf32, #tpu.memory_space<hbm>> -> memref<128x128xf32, #tpu.memory_space<hbm>>
      %dma_start3A_283 = arith.constant 0 : i32
      %dma_start3A_284 = tpu.memref_slice %arg2[%mul3A_281, %dma_start3A_283] : memref<100000x128xf32, #tpu.memory_space<hbm>> -> memref<128x128xf32, #tpu.memory_space<hbm>>
      tpu.enqueue_dma source(%dma_start3A_284 : memref<128x128xf32, #tpu.memory_space<hbm>>) target(%arg10 : memref<128x128xf32, #tpu.memory_space<vmem>>) target_semaphore(%arg23 : memref<!tpu.dma_semaphore, #tpu.memory_space<semaphore_mem>>)
      %mul3A_285 = arith.constant 128 : i32
      %mul3A_286 = arith.muli %add3A_36, %mul3A_285 : i32
      %dma_start3A_287 = arith.constant 0 : i32
      %dma_start3A_288 = arith.constant 0 : i32
      %dma_start3A_289 = tpu.memref_slice %arg16[%dma_start3A_287, %dma_start3A_288] : memref<1x128xi32, #tpu.memory_space<vmem>> -> memref<1x128xi32, #tpu.memory_space<vmem>>
      %dma_start3A_290 = tpu.memref_squeeze %dma_start3A_289 : memref<1x128xi32, #tpu.memory_space<vmem>> -> memref<128xi32, #tpu.memory_space<vmem>>
      %dma_start3A_291 = tpu.memref_slice %arg3[%mul3A_286] : memref<100000xi32, #tpu.memory_space<hbm>> -> memref<128xi32, #tpu.memory_space<hbm>>
      %dma_start3A_292 = arith.constant 0 : i32
      %dma_start3A_293 = tpu.memref_slice %arg16[%dma_start3A_287, %dma_start3A_292] : memref<1x128xi32, #tpu.memory_space<vmem>> -> memref<1x128xi32, #tpu.memory_space<vmem>>
      %dma_start3A_294 = tpu.memref_squeeze %dma_start3A_293 : memref<1x128xi32, #tpu.memory_space<vmem>> -> memref<128xi32, #tpu.memory_space<vmem>>
      %dma_start3A_295 = tpu.memref_slice %arg3[%mul3A_286] : memref<100000xi32, #tpu.memory_space<hbm>> -> memref<128xi32, #tpu.memory_space<hbm>>
      tpu.enqueue_dma source(%dma_start3A_295 : memref<128xi32, #tpu.memory_space<hbm>>) target(%dma_start3A_294 : memref<128xi32, #tpu.memory_space<vmem>>) target_semaphore(%arg23 : memref<!tpu.dma_semaphore, #tpu.memory_space<semaphore_mem>>)
    } else {
    }
    %add3A_42 = arith.constant 32 : i32
    %add3A_43 = arith.addi %add3A, %add3A_42 : i32
    %lt3A_44 = arith.constant 781 : i32
    %lt3A_45 = arith.cmpi slt, %add3A_43, %lt3A_44 : i32
    %convert_element_type3A_46 = arith.extui %lt3A_45 : i1 to i32
    %cond3A_47 = arith.constant 0 : i32
    %cond3A_48 = arith.cmpi ne, %convert_element_type3A_46, %cond3A_47 : i32
    scf.if %cond3A_48 {
      %mul3A_280 = arith.constant 128 : i32
      %mul3A_281 = arith.muli %add3A_43, %mul3A_280 : i32
      %dma_wait3A = arith.constant 0 : i32
      %dma_wait3A_282 = tpu.memref_slice %arg2[%mul3A_281, %dma_wait3A] : memref<100000x128xf32, #tpu.memory_space<hbm>> -> memref<128x128xf32, #tpu.memory_space<hbm>>
      %dma_wait3A_283 = arith.constant 0 : i32
      %dma_wait3A_284 = tpu.memref_slice %arg2[%mul3A_281, %dma_wait3A_283] : memref<100000x128xf32, #tpu.memory_space<hbm>> -> memref<128x128xf32, #tpu.memory_space<hbm>>
      tpu.wait_dma2 semaphore(%arg20 : memref<!tpu.dma_semaphore, #tpu.memory_space<semaphore_mem>>) src(%dma_wait3A_284 : memref<128x128xf32, #tpu.memory_space<hbm>>) dst(%arg7 : memref<128x128xf32, #tpu.memory_space<vmem>>)
      %mul3A_285 = arith.constant 128 : i32
      %mul3A_286 = arith.muli %add3A_43, %mul3A_285 : i32
      %dma_wait3A_287 = arith.constant 0 : i32
      %dma_wait3A_288 = arith.constant 0 : i32
      %dma_wait3A_289 = tpu.memref_slice %arg13[%dma_wait3A_287, %dma_wait3A_288] : memref<1x128xi32, #tpu.memory_space<vmem>> -> memref<1x128xi32, #tpu.memory_space<vmem>>
      %dma_wait3A_290 = tpu.memref_squeeze %dma_wait3A_289 : memref<1x128xi32, #tpu.memory_space<vmem>> -> memref<128xi32, #tpu.memory_space<vmem>>
      %dma_wait3A_291 = tpu.memref_slice %arg3[%mul3A_286] : memref<100000xi32, #tpu.memory_space<hbm>> -> memref<128xi32, #tpu.memory_space<hbm>>
      %dma_wait3A_292 = arith.constant 0 : i32
      %dma_wait3A_293 = tpu.memref_slice %arg13[%dma_wait3A_287, %dma_wait3A_292] : memref<1x128xi32, #tpu.memory_space<vmem>> -> memref<1x128xi32, #tpu.memory_space<vmem>>
      %dma_wait3A_294 = tpu.memref_squeeze %dma_wait3A_293 : memref<1x128xi32, #tpu.memory_space<vmem>> -> memref<128xi32, #tpu.memory_space<vmem>>
      %dma_wait3A_295 = tpu.memref_slice %arg3[%mul3A_286] : memref<100000xi32, #tpu.memory_space<hbm>> -> memref<128xi32, #tpu.memory_space<hbm>>
      tpu.wait_dma2 semaphore(%arg20 : memref<!tpu.dma_semaphore, #tpu.memory_space<semaphore_mem>>) src(%dma_wait3A_295 : memref<128xi32, #tpu.memory_space<hbm>>) dst(%dma_wait3A_294 : memref<128xi32, #tpu.memory_space<vmem>>)
      %dma_start3A = arith.constant 0 : i32
      %dma_start3A_296 = arith.constant 0 : i32
      %dma_start3A_297 = tpu.memref_slice %arg13[%dma_start3A, %dma_start3A_296] : memref<1x128xi32, #tpu.memory_space<vmem>> -> memref<1x128xi32, #tpu.memory_space<vmem>>
      %dma_start3A_298 = tpu.memref_squeeze %dma_start3A_297 : memref<1x128xi32, #tpu.memory_space<vmem>> -> memref<128xi32, #tpu.memory_space<vmem>>
      %dma_start3A_299 = arith.constant 0 : i32
      %dma_start3A_300 = arith.constant 0 : i32
      %dma_start3A_301 = tpu.memref_slice %arg31[%dma_start3A_299, %dma_start3A_300] : memref<2048x128xf32, #tpu.memory_space<vmem_shared>> -> memref<2048x128xf32, #tpu.memory_space<vmem_shared>>
      tpu.enqueue_indirect_dma source(%arg7 : memref<128x128xf32, #tpu.memory_space<vmem>>) target(%dma_start3A_301 : memref<2048x128xf32, #tpu.memory_space<vmem_shared>>) offsets(%dma_start3A_298 : memref<128xi32, #tpu.memory_space<vmem>>) semaphore(%arg26 : memref<!tpu.dma_semaphore, #tpu.memory_space<semaphore_mem>>) {add = true}
    } else {
    }
    %add3A_49 = arith.constant 160 : i32
    %add3A_50 = arith.addi %add3A, %add3A_49 : i32
    %lt3A_51 = arith.constant 781 : i32
    %lt3A_52 = arith.cmpi slt, %add3A_50, %lt3A_51 : i32
    %convert_element_type3A_53 = arith.extui %lt3A_52 : i1 to i32
    %cond3A_54 = arith.constant 0 : i32
    %cond3A_55 = arith.cmpi ne, %convert_element_type3A_53, %cond3A_54 : i32
    scf.if %cond3A_55 {
      %mul3A_280 = arith.constant 128 : i32
      %mul3A_281 = arith.muli %add3A_50, %mul3A_280 : i32
      %dma_start3A = arith.constant 0 : i32
      %dma_start3A_282 = tpu.memref_slice %arg2[%mul3A_281, %dma_start3A] : memref<100000x128xf32, #tpu.memory_space<hbm>> -> memref<128x128xf32, #tpu.memory_space<hbm>>
      %dma_start3A_283 = arith.constant 0 : i32
      %dma_start3A_284 = tpu.memref_slice %arg2[%mul3A_281, %dma_start3A_283] : memref<100000x128xf32, #tpu.memory_space<hbm>> -> memref<128x128xf32, #tpu.memory_space<hbm>>
      tpu.enqueue_dma source(%dma_start3A_284 : memref<128x128xf32, #tpu.memory_space<hbm>>) target(%arg11 : memref<128x128xf32, #tpu.memory_space<vmem>>) target_semaphore(%arg24 : memref<!tpu.dma_semaphore, #tpu.memory_space<semaphore_mem>>)
      %mul3A_285 = arith.constant 128 : i32
      %mul3A_286 = arith.muli %add3A_50, %mul3A_285 : i32
      %dma_start3A_287 = arith.constant 0 : i32
      %dma_start3A_288 = arith.constant 0 : i32
      %dma_start3A_289 = tpu.memref_slice %arg17[%dma_start3A_287, %dma_start3A_288] : memref<1x128xi32, #tpu.memory_space<vmem>> -> memref<1x128xi32, #tpu.memory_space<vmem>>
      %dma_start3A_290 = tpu.memref_squeeze %dma_start3A_289 : memref<1x128xi32, #tpu.memory_space<vmem>> -> memref<128xi32, #tpu.memory_space<vmem>>
      %dma_start3A_291 = tpu.memref_slice %arg3[%mul3A_286] : memref<100000xi32, #tpu.memory_space<hbm>> -> memref<128xi32, #tpu.memory_space<hbm>>
      %dma_start3A_292 = arith.constant 0 : i32
      %dma_start3A_293 = tpu.memref_slice %arg17[%dma_start3A_287, %dma_start3A_292] : memref<1x128xi32, #tpu.memory_space<vmem>> -> memref<1x128xi32, #tpu.memory_space<vmem>>
      %dma_start3A_294 = tpu.memref_squeeze %dma_start3A_293 : memref<1x128xi32, #tpu.memory_space<vmem>> -> memref<128xi32, #tpu.memory_space<vmem>>
      %dma_start3A_295 = tpu.memref_slice %arg3[%mul3A_286] : memref<100000xi32, #tpu.memory_space<hbm>> -> memref<128xi32, #tpu.memory_space<hbm>>
      tpu.enqueue_dma source(%dma_start3A_295 : memref<128xi32, #tpu.memory_space<hbm>>) target(%dma_start3A_294 : memref<128xi32, #tpu.memory_space<vmem>>) target_semaphore(%arg24 : memref<!tpu.dma_semaphore, #tpu.memory_space<semaphore_mem>>)
    } else {
    }
    %scan3A = arith.constant 0 : i32
    %scan3A_56 = arith.constant 0 : i32
    %scan3A_57 = arith.constant 3 : i32
    %scan3A_58 = arith.addi %scan3A_56, %scan3A_57 : i32
    %scan3A_59 = arith.constant 1 : i32
    scf.for %scan3A_280 = %scan3A_56 to %scan3A_58 step %scan3A_59  : i32 {
      %mul3A_281 = arith.constant 6 : i32
      %mul3A_282 = arith.muli %mul3A_281, %scan3A_280 : i32
      %add3A_283 = arith.constant 2 : i32
      %add3A_284 = arith.addi %add3A_283, %mul3A_282 : i32
      %add3A_285 = arith.constant 0 : i32
      %add3A_286 = arith.addi %add3A_284, %add3A_285 : i32
      %mul3A_287 = arith.constant 32 : i32
      %mul3A_288 = arith.muli %add3A_286, %mul3A_287 : i32
      %add3A_289 = arith.addi %add3A, %mul3A_288 : i32
      %lt3A_290 = arith.constant 781 : i32
      %lt3A_291 = arith.cmpi slt, %add3A_289, %lt3A_290 : i32
      %convert_element_type3A_292 = arith.extui %lt3A_291 : i1 to i32
      %cond3A_293 = arith.constant 0 : i32
      %cond3A_294 = arith.cmpi ne, %convert_element_type3A_292, %cond3A_293 : i32
      scf.if %cond3A_294 {
        %mul3A_407 = arith.constant 128 : i32
        %mul3A_408 = arith.muli %add3A_289, %mul3A_407 : i32
        %dma_wait3A = arith.constant 0 : i32
        %dma_wait3A_409 = tpu.memref_slice %arg2[%mul3A_408, %dma_wait3A] : memref<100000x128xf32, #tpu.memory_space<hbm>> -> memref<128x128xf32, #tpu.memory_space<hbm>>
        %dma_wait3A_410 = arith.constant 0 : i32
        %dma_wait3A_411 = tpu.memref_slice %arg2[%mul3A_408, %dma_wait3A_410] : memref<100000x128xf32, #tpu.memory_space<hbm>> -> memref<128x128xf32, #tpu.memory_space<hbm>>
        tpu.wait_dma2 semaphore(%arg21 : memref<!tpu.dma_semaphore, #tpu.memory_space<semaphore_mem>>) src(%dma_wait3A_411 : memref<128x128xf32, #tpu.memory_space<hbm>>) dst(%arg8 : memref<128x128xf32, #tpu.memory_space<vmem>>)
        %mul3A_412 = arith.constant 128 : i32
        %mul3A_413 = arith.muli %add3A_289, %mul3A_412 : i32
        %dma_wait3A_414 = arith.constant 0 : i32
        %dma_wait3A_415 = arith.constant 0 : i32
        %dma_wait3A_416 = tpu.memref_slice %arg14[%dma_wait3A_414, %dma_wait3A_415] : memref<1x128xi32, #tpu.memory_space<vmem>> -> memref<1x128xi32, #tpu.memory_space<vmem>>
        %dma_wait3A_417 = tpu.memref_squeeze %dma_wait3A_416 : memref<1x128xi32, #tpu.memory_space<vmem>> -> memref<128xi32, #tpu.memory_space<vmem>>
        %dma_wait3A_418 = tpu.memref_slice %arg3[%mul3A_413] : memref<100000xi32, #tpu.memory_space<hbm>> -> memref<128xi32, #tpu.memory_space<hbm>>
        %dma_wait3A_419 = arith.constant 0 : i32
        %dma_wait3A_420 = tpu.memref_slice %arg14[%dma_wait3A_414, %dma_wait3A_419] : memref<1x128xi32, #tpu.memory_space<vmem>> -> memref<1x128xi32, #tpu.memory_space<vmem>>
        %dma_wait3A_421 = tpu.memref_squeeze %dma_wait3A_420 : memref<1x128xi32, #tpu.memory_space<vmem>> -> memref<128xi32, #tpu.memory_space<vmem>>
        %dma_wait3A_422 = tpu.memref_slice %arg3[%mul3A_413] : memref<100000xi32, #tpu.memory_space<hbm>> -> memref<128xi32, #tpu.memory_space<hbm>>
        tpu.wait_dma2 semaphore(%arg21 : memref<!tpu.dma_semaphore, #tpu.memory_space<semaphore_mem>>) src(%dma_wait3A_422 : memref<128xi32, #tpu.memory_space<hbm>>) dst(%dma_wait3A_421 : memref<128xi32, #tpu.memory_space<vmem>>)
        %dma_start3A = arith.constant 0 : i32
        %dma_start3A_423 = arith.constant 0 : i32
        %dma_start3A_424 = tpu.memref_slice %arg14[%dma_start3A, %dma_start3A_423] : memref<1x128xi32, #tpu.memory_space<vmem>> -> memref<1x128xi32, #tpu.memory_space<vmem>>
        %dma_start3A_425 = tpu.memref_squeeze %dma_start3A_424 : memref<1x128xi32, #tpu.memory_space<vmem>> -> memref<128xi32, #tpu.memory_space<vmem>>
        %dma_start3A_426 = arith.constant 0 : i32
        %dma_start3A_427 = arith.constant 0 : i32
        %dma_start3A_428 = tpu.memref_slice %arg31[%dma_start3A_426, %dma_start3A_427] : memref<2048x128xf32, #tpu.memory_space<vmem_shared>> -> memref<2048x128xf32, #tpu.memory_space<vmem_shared>>
        tpu.enqueue_indirect_dma source(%arg8 : memref<128x128xf32, #tpu.memory_space<vmem>>) target(%dma_start3A_428 : memref<2048x128xf32, #tpu.memory_space<vmem_shared>>) offsets(%dma_start3A_425 : memref<128xi32, #tpu.memory_space<vmem>>) semaphore(%arg27 : memref<!tpu.dma_semaphore, #tpu.memory_space<semaphore_mem>>) {add = true}
      } else {
      }
      %add3A_295 = arith.constant 128 : i32
      %add3A_296 = arith.addi %add3A_289, %add3A_295 : i32
      %lt3A_297 = arith.constant 781 : i32
      %lt3A_298 = arith.cmpi slt, %add3A_296, %lt3A_297 : i32
      %convert_element_type3A_299 = arith.extui %lt3A_298 : i1 to i32
      %cond3A_300 = arith.constant 0 : i32
      %cond3A_301 = arith.cmpi ne, %convert_element_type3A_299, %cond3A_300 : i32
      scf.if %cond3A_301 {
        %dma_wait3A = arith.constant 0 : i32
        %dma_wait3A_407 = arith.constant 0 : i32
        %dma_wait3A_408 = tpu.memref_slice %arg12[%dma_wait3A, %dma_wait3A_407] : memref<1x128xi32, #tpu.memory_space<vmem>> -> memref<1x128xi32, #tpu.memory_space<vmem>>
        %dma_wait3A_409 = tpu.memref_squeeze %dma_wait3A_408 : memref<1x128xi32, #tpu.memory_space<vmem>> -> memref<128xi32, #tpu.memory_space<vmem>>
        %dma_wait3A_410 = arith.constant 0 : i32
        %dma_wait3A_411 = arith.constant 0 : i32
        %dma_wait3A_412 = tpu.memref_slice %arg31[%dma_wait3A_410, %dma_wait3A_411] : memref<2048x128xf32, #tpu.memory_space<vmem_shared>> -> memref<2048x128xf32, #tpu.memory_space<vmem_shared>>
        tpu.wait_indirect_dma semaphore(%arg25 : memref<!tpu.dma_semaphore, #tpu.memory_space<semaphore_mem>>) src(%arg6 : memref<128x128xf32, #tpu.memory_space<vmem>>) dst(%dma_wait3A_412 : memref<2048x128xf32, #tpu.memory_space<vmem_shared>>)
        %mul3A_413 = arith.constant 128 : i32
        %mul3A_414 = arith.muli %add3A_296, %mul3A_413 : i32
        %dma_start3A = arith.constant 0 : i32
        %dma_start3A_415 = tpu.memref_slice %arg2[%mul3A_414, %dma_start3A] : memref<100000x128xf32, #tpu.memory_space<hbm>> -> memref<128x128xf32, #tpu.memory_space<hbm>>
        %dma_start3A_416 = arith.constant 0 : i32
        %dma_start3A_417 = tpu.memref_slice %arg2[%mul3A_414, %dma_start3A_416] : memref<100000x128xf32, #tpu.memory_space<hbm>> -> memref<128x128xf32, #tpu.memory_space<hbm>>
        tpu.enqueue_dma source(%dma_start3A_417 : memref<128x128xf32, #tpu.memory_space<hbm>>) target(%arg6 : memref<128x128xf32, #tpu.memory_space<vmem>>) target_semaphore(%arg19 : memref<!tpu.dma_semaphore, #tpu.memory_space<semaphore_mem>>)
        %mul3A_418 = arith.constant 128 : i32
        %mul3A_419 = arith.muli %add3A_296, %mul3A_418 : i32
        %dma_start3A_420 = arith.constant 0 : i32
        %dma_start3A_421 = arith.constant 0 : i32
        %dma_start3A_422 = tpu.memref_slice %arg12[%dma_start3A_420, %dma_start3A_421] : memref<1x128xi32, #tpu.memory_space<vmem>> -> memref<1x128xi32, #tpu.memory_space<vmem>>
        %dma_start3A_423 = tpu.memref_squeeze %dma_start3A_422 : memref<1x128xi32, #tpu.memory_space<vmem>> -> memref<128xi32, #tpu.memory_space<vmem>>
        %dma_start3A_424 = tpu.memref_slice %arg3[%mul3A_419] : memref<100000xi32, #tpu.memory_space<hbm>> -> memref<128xi32, #tpu.memory_space<hbm>>
        %dma_start3A_425 = arith.constant 0 : i32
        %dma_start3A_426 = tpu.memref_slice %arg12[%dma_start3A_420, %dma_start3A_425] : memref<1x128xi32, #tpu.memory_space<vmem>> -> memref<1x128xi32, #tpu.memory_space<vmem>>
        %dma_start3A_427 = tpu.memref_squeeze %dma_start3A_426 : memref<1x128xi32, #tpu.memory_space<vmem>> -> memref<128xi32, #tpu.memory_space<vmem>>
        %dma_start3A_428 = tpu.memref_slice %arg3[%mul3A_419] : memref<100000xi32, #tpu.memory_space<hbm>> -> memref<128xi32, #tpu.memory_space<hbm>>
        tpu.enqueue_dma source(%dma_start3A_428 : memref<128xi32, #tpu.memory_space<hbm>>) target(%dma_start3A_427 : memref<128xi32, #tpu.memory_space<vmem>>) target_semaphore(%arg19 : memref<!tpu.dma_semaphore, #tpu.memory_space<semaphore_mem>>)
      } else {
      }
      %mul3A_302 = arith.constant 6 : i32
      %mul3A_303 = arith.muli %mul3A_302, %scan3A_280 : i32
      %add3A_304 = arith.constant 2 : i32
      %add3A_305 = arith.addi %add3A_304, %mul3A_303 : i32
      %add3A_306 = arith.constant 1 : i32
      %add3A_307 = arith.addi %add3A_305, %add3A_306 : i32
      %mul3A_308 = arith.constant 32 : i32
      %mul3A_309 = arith.muli %add3A_307, %mul3A_308 : i32
      %add3A_310 = arith.addi %add3A, %mul3A_309 : i32
      %lt3A_311 = arith.constant 781 : i32
      %lt3A_312 = arith.cmpi slt, %add3A_310, %lt3A_311 : i32
      %convert_element_type3A_313 = arith.extui %lt3A_312 : i1 to i32
      %cond3A_314 = arith.constant 0 : i32
      %cond3A_315 = arith.cmpi ne, %convert_element_type3A_313, %cond3A_314 : i32
      scf.if %cond3A_315 {
        %mul3A_407 = arith.constant 128 : i32
        %mul3A_408 = arith.muli %add3A_310, %mul3A_407 : i32
        %dma_wait3A = arith.constant 0 : i32
        %dma_wait3A_409 = tpu.memref_slice %arg2[%mul3A_408, %dma_wait3A] : memref<100000x128xf32, #tpu.memory_space<hbm>> -> memref<128x128xf32, #tpu.memory_space<hbm>>
        %dma_wait3A_410 = arith.constant 0 : i32
        %dma_wait3A_411 = tpu.memref_slice %arg2[%mul3A_408, %dma_wait3A_410] : memref<100000x128xf32, #tpu.memory_space<hbm>> -> memref<128x128xf32, #tpu.memory_space<hbm>>
        tpu.wait_dma2 semaphore(%arg22 : memref<!tpu.dma_semaphore, #tpu.memory_space<semaphore_mem>>) src(%dma_wait3A_411 : memref<128x128xf32, #tpu.memory_space<hbm>>) dst(%arg9 : memref<128x128xf32, #tpu.memory_space<vmem>>)
        %mul3A_412 = arith.constant 128 : i32
        %mul3A_413 = arith.muli %add3A_310, %mul3A_412 : i32
        %dma_wait3A_414 = arith.constant 0 : i32
        %dma_wait3A_415 = arith.constant 0 : i32
        %dma_wait3A_416 = tpu.memref_slice %arg15[%dma_wait3A_414, %dma_wait3A_415] : memref<1x128xi32, #tpu.memory_space<vmem>> -> memref<1x128xi32, #tpu.memory_space<vmem>>
        %dma_wait3A_417 = tpu.memref_squeeze %dma_wait3A_416 : memref<1x128xi32, #tpu.memory_space<vmem>> -> memref<128xi32, #tpu.memory_space<vmem>>
        %dma_wait3A_418 = tpu.memref_slice %arg3[%mul3A_413] : memref<100000xi32, #tpu.memory_space<hbm>> -> memref<128xi32, #tpu.memory_space<hbm>>
        %dma_wait3A_419 = arith.constant 0 : i32
        %dma_wait3A_420 = tpu.memref_slice %arg15[%dma_wait3A_414, %dma_wait3A_419] : memref<1x128xi32, #tpu.memory_space<vmem>> -> memref<1x128xi32, #tpu.memory_space<vmem>>
        %dma_wait3A_421 = tpu.memref_squeeze %dma_wait3A_420 : memref<1x128xi32, #tpu.memory_space<vmem>> -> memref<128xi32, #tpu.memory_space<vmem>>
        %dma_wait3A_422 = tpu.memref_slice %arg3[%mul3A_413] : memref<100000xi32, #tpu.memory_space<hbm>> -> memref<128xi32, #tpu.memory_space<hbm>>
        tpu.wait_dma2 semaphore(%arg22 : memref<!tpu.dma_semaphore, #tpu.memory_space<semaphore_mem>>) src(%dma_wait3A_422 : memref<128xi32, #tpu.memory_space<hbm>>) dst(%dma_wait3A_421 : memref<128xi32, #tpu.memory_space<vmem>>)
        %dma_start3A = arith.constant 0 : i32
        %dma_start3A_423 = arith.constant 0 : i32
        %dma_start3A_424 = tpu.memref_slice %arg15[%dma_start3A, %dma_start3A_423] : memref<1x128xi32, #tpu.memory_space<vmem>> -> memref<1x128xi32, #tpu.memory_space<vmem>>
        %dma_start3A_425 = tpu.memref_squeeze %dma_start3A_424 : memref<1x128xi32, #tpu.memory_space<vmem>> -> memref<128xi32, #tpu.memory_space<vmem>>
        %dma_start3A_426 = arith.constant 0 : i32
        %dma_start3A_427 = arith.constant 0 : i32
        %dma_start3A_428 = tpu.memref_slice %arg31[%dma_start3A_426, %dma_start3A_427] : memref<2048x128xf32, #tpu.memory_space<vmem_shared>> -> memref<2048x128xf32, #tpu.memory_space<vmem_shared>>
        tpu.enqueue_indirect_dma source(%arg9 : memref<128x128xf32, #tpu.memory_space<vmem>>) target(%dma_start3A_428 : memref<2048x128xf32, #tpu.memory_space<vmem_shared>>) offsets(%dma_start3A_425 : memref<128xi32, #tpu.memory_space<vmem>>) semaphore(%arg28 : memref<!tpu.dma_semaphore, #tpu.memory_space<semaphore_mem>>) {add = true}
      } else {
      }
      %add3A_316 = arith.constant 128 : i32
      %add3A_317 = arith.addi %add3A_310, %add3A_316 : i32
      %lt3A_318 = arith.constant 781 : i32
      %lt3A_319 = arith.cmpi slt, %add3A_317, %lt3A_318 : i32
      %convert_element_type3A_320 = arith.extui %lt3A_319 : i1 to i32
      %cond3A_321 = arith.constant 0 : i32
      %cond3A_322 = arith.cmpi ne, %convert_element_type3A_320, %cond3A_321 : i32
      scf.if %cond3A_322 {
        %dma_wait3A = arith.constant 0 : i32
        %dma_wait3A_407 = arith.constant 0 : i32
        %dma_wait3A_408 = tpu.memref_slice %arg13[%dma_wait3A, %dma_wait3A_407] : memref<1x128xi32, #tpu.memory_space<vmem>> -> memref<1x128xi32, #tpu.memory_space<vmem>>
        %dma_wait3A_409 = tpu.memref_squeeze %dma_wait3A_408 : memref<1x128xi32, #tpu.memory_space<vmem>> -> memref<128xi32, #tpu.memory_space<vmem>>
        %dma_wait3A_410 = arith.constant 0 : i32
        %dma_wait3A_411 = arith.constant 0 : i32
        %dma_wait3A_412 = tpu.memref_slice %arg31[%dma_wait3A_410, %dma_wait3A_411] : memref<2048x128xf32, #tpu.memory_space<vmem_shared>> -> memref<2048x128xf32, #tpu.memory_space<vmem_shared>>
        tpu.wait_indirect_dma semaphore(%arg26 : memref<!tpu.dma_semaphore, #tpu.memory_space<semaphore_mem>>) src(%arg7 : memref<128x128xf32, #tpu.memory_space<vmem>>) dst(%dma_wait3A_412 : memref<2048x128xf32, #tpu.memory_space<vmem_shared>>)
        %mul3A_413 = arith.constant 128 : i32
        %mul3A_414 = arith.muli %add3A_317, %mul3A_413 : i32
        %dma_start3A = arith.constant 0 : i32
        %dma_start3A_415 = tpu.memref_slice %arg2[%mul3A_414, %dma_start3A] : memref<100000x128xf32, #tpu.memory_space<hbm>> -> memref<128x128xf32, #tpu.memory_space<hbm>>
        %dma_start3A_416 = arith.constant 0 : i32
        %dma_start3A_417 = tpu.memref_slice %arg2[%mul3A_414, %dma_start3A_416] : memref<100000x128xf32, #tpu.memory_space<hbm>> -> memref<128x128xf32, #tpu.memory_space<hbm>>
        tpu.enqueue_dma source(%dma_start3A_417 : memref<128x128xf32, #tpu.memory_space<hbm>>) target(%arg7 : memref<128x128xf32, #tpu.memory_space<vmem>>) target_semaphore(%arg20 : memref<!tpu.dma_semaphore, #tpu.memory_space<semaphore_mem>>)
        %mul3A_418 = arith.constant 128 : i32
        %mul3A_419 = arith.muli %add3A_317, %mul3A_418 : i32
        %dma_start3A_420 = arith.constant 0 : i32
        %dma_start3A_421 = arith.constant 0 : i32
        %dma_start3A_422 = tpu.memref_slice %arg13[%dma_start3A_420, %dma_start3A_421] : memref<1x128xi32, #tpu.memory_space<vmem>> -> memref<1x128xi32, #tpu.memory_space<vmem>>
        %dma_start3A_423 = tpu.memref_squeeze %dma_start3A_422 : memref<1x128xi32, #tpu.memory_space<vmem>> -> memref<128xi32, #tpu.memory_space<vmem>>
        %dma_start3A_424 = tpu.memref_slice %arg3[%mul3A_419] : memref<100000xi32, #tpu.memory_space<hbm>> -> memref<128xi32, #tpu.memory_space<hbm>>
        %dma_start3A_425 = arith.constant 0 : i32
        %dma_start3A_426 = tpu.memref_slice %arg13[%dma_start3A_420, %dma_start3A_425] : memref<1x128xi32, #tpu.memory_space<vmem>> -> memref<1x128xi32, #tpu.memory_space<vmem>>
        %dma_start3A_427 = tpu.memref_squeeze %dma_start3A_426 : memref<1x128xi32, #tpu.memory_space<vmem>> -> memref<128xi32, #tpu.memory_space<vmem>>
        %dma_start3A_428 = tpu.memref_slice %arg3[%mul3A_419] : memref<100000xi32, #tpu.memory_space<hbm>> -> memref<128xi32, #tpu.memory_space<hbm>>
        tpu.enqueue_dma source(%dma_start3A_428 : memref<128xi32, #tpu.memory_space<hbm>>) target(%dma_start3A_427 : memref<128xi32, #tpu.memory_space<vmem>>) target_semaphore(%arg20 : memref<!tpu.dma_semaphore, #tpu.memory_space<semaphore_mem>>)
      } else {
      }
      %mul3A_323 = arith.constant 6 : i32
      %mul3A_324 = arith.muli %mul3A_323, %scan3A_280 : i32
      %add3A_325 = arith.constant 2 : i32
      %add3A_326 = arith.addi %add3A_325, %mul3A_324 : i32
      %add3A_327 = arith.constant 2 : i32
      %add3A_328 = arith.addi %add3A_326, %add3A_327 : i32
      %mul3A_329 = arith.constant 32 : i32
      %mul3A_330 = arith.muli %add3A_328, %mul3A_329 : i32
      %add3A_331 = arith.addi %add3A, %mul3A_330 : i32
      %lt3A_332 = arith.constant 781 : i32
      %lt3A_333 = arith.cmpi slt, %add3A_331, %lt3A_332 : i32
      %convert_element_type3A_334 = arith.extui %lt3A_333 : i1 to i32
      %cond3A_335 = arith.constant 0 : i32
      %cond3A_336 = arith.cmpi ne, %convert_element_type3A_334, %cond3A_335 : i32
      scf.if %cond3A_336 {
        %mul3A_407 = arith.constant 128 : i32
        %mul3A_408 = arith.muli %add3A_331, %mul3A_407 : i32
        %dma_wait3A = arith.constant 0 : i32
        %dma_wait3A_409 = tpu.memref_slice %arg2[%mul3A_408, %dma_wait3A] : memref<100000x128xf32, #tpu.memory_space<hbm>> -> memref<128x128xf32, #tpu.memory_space<hbm>>
        %dma_wait3A_410 = arith.constant 0 : i32
        %dma_wait3A_411 = tpu.memref_slice %arg2[%mul3A_408, %dma_wait3A_410] : memref<100000x128xf32, #tpu.memory_space<hbm>> -> memref<128x128xf32, #tpu.memory_space<hbm>>
        tpu.wait_dma2 semaphore(%arg23 : memref<!tpu.dma_semaphore, #tpu.memory_space<semaphore_mem>>) src(%dma_wait3A_411 : memref<128x128xf32, #tpu.memory_space<hbm>>) dst(%arg10 : memref<128x128xf32, #tpu.memory_space<vmem>>)
        %mul3A_412 = arith.constant 128 : i32
        %mul3A_413 = arith.muli %add3A_331, %mul3A_412 : i32
        %dma_wait3A_414 = arith.constant 0 : i32
        %dma_wait3A_415 = arith.constant 0 : i32
        %dma_wait3A_416 = tpu.memref_slice %arg16[%dma_wait3A_414, %dma_wait3A_415] : memref<1x128xi32, #tpu.memory_space<vmem>> -> memref<1x128xi32, #tpu.memory_space<vmem>>
        %dma_wait3A_417 = tpu.memref_squeeze %dma_wait3A_416 : memref<1x128xi32, #tpu.memory_space<vmem>> -> memref<128xi32, #tpu.memory_space<vmem>>
        %dma_wait3A_418 = tpu.memref_slice %arg3[%mul3A_413] : memref<100000xi32, #tpu.memory_space<hbm>> -> memref<128xi32, #tpu.memory_space<hbm>>
        %dma_wait3A_419 = arith.constant 0 : i32
        %dma_wait3A_420 = tpu.memref_slice %arg16[%dma_wait3A_414, %dma_wait3A_419] : memref<1x128xi32, #tpu.memory_space<vmem>> -> memref<1x128xi32, #tpu.memory_space<vmem>>
        %dma_wait3A_421 = tpu.memref_squeeze %dma_wait3A_420 : memref<1x128xi32, #tpu.memory_space<vmem>> -> memref<128xi32, #tpu.memory_space<vmem>>
        %dma_wait3A_422 = tpu.memref_slice %arg3[%mul3A_413] : memref<100000xi32, #tpu.memory_space<hbm>> -> memref<128xi32, #tpu.memory_space<hbm>>
        tpu.wait_dma2 semaphore(%arg23 : memref<!tpu.dma_semaphore, #tpu.memory_space<semaphore_mem>>) src(%dma_wait3A_422 : memref<128xi32, #tpu.memory_space<hbm>>) dst(%dma_wait3A_421 : memref<128xi32, #tpu.memory_space<vmem>>)
        %dma_start3A = arith.constant 0 : i32
        %dma_start3A_423 = arith.constant 0 : i32
        %dma_start3A_424 = tpu.memref_slice %arg16[%dma_start3A, %dma_start3A_423] : memref<1x128xi32, #tpu.memory_space<vmem>> -> memref<1x128xi32, #tpu.memory_space<vmem>>
        %dma_start3A_425 = tpu.memref_squeeze %dma_start3A_424 : memref<1x128xi32, #tpu.memory_space<vmem>> -> memref<128xi32, #tpu.memory_space<vmem>>
        %dma_start3A_426 = arith.constant 0 : i32
        %dma_start3A_427 = arith.constant 0 : i32
        %dma_start3A_428 = tpu.memref_slice %arg31[%dma_start3A_426, %dma_start3A_427] : memref<2048x128xf32, #tpu.memory_space<vmem_shared>> -> memref<2048x128xf32, #tpu.memory_space<vmem_shared>>
        tpu.enqueue_indirect_dma source(%arg10 : memref<128x128xf32, #tpu.memory_space<vmem>>) target(%dma_start3A_428 : memref<2048x128xf32, #tpu.memory_space<vmem_shared>>) offsets(%dma_start3A_425 : memref<128xi32, #tpu.memory_space<vmem>>) semaphore(%arg29 : memref<!tpu.dma_semaphore, #tpu.memory_space<semaphore_mem>>) {add = true}
      } else {
      }
      %add3A_337 = arith.constant 128 : i32
      %add3A_338 = arith.addi %add3A_331, %add3A_337 : i32
      %lt3A_339 = arith.constant 781 : i32
      %lt3A_340 = arith.cmpi slt, %add3A_338, %lt3A_339 : i32
      %convert_element_type3A_341 = arith.extui %lt3A_340 : i1 to i32
      %cond3A_342 = arith.constant 0 : i32
      %cond3A_343 = arith.cmpi ne, %convert_element_type3A_341, %cond3A_342 : i32
      scf.if %cond3A_343 {
        %dma_wait3A = arith.constant 0 : i32
        %dma_wait3A_407 = arith.constant 0 : i32
        %dma_wait3A_408 = tpu.memref_slice %arg14[%dma_wait3A, %dma_wait3A_407] : memref<1x128xi32, #tpu.memory_space<vmem>> -> memref<1x128xi32, #tpu.memory_space<vmem>>
        %dma_wait3A_409 = tpu.memref_squeeze %dma_wait3A_408 : memref<1x128xi32, #tpu.memory_space<vmem>> -> memref<128xi32, #tpu.memory_space<vmem>>
        %dma_wait3A_410 = arith.constant 0 : i32
        %dma_wait3A_411 = arith.constant 0 : i32
        %dma_wait3A_412 = tpu.memref_slice %arg31[%dma_wait3A_410, %dma_wait3A_411] : memref<2048x128xf32, #tpu.memory_space<vmem_shared>> -> memref<2048x128xf32, #tpu.memory_space<vmem_shared>>
        tpu.wait_indirect_dma semaphore(%arg27 : memref<!tpu.dma_semaphore, #tpu.memory_space<semaphore_mem>>) src(%arg8 : memref<128x128xf32, #tpu.memory_space<vmem>>) dst(%dma_wait3A_412 : memref<2048x128xf32, #tpu.memory_space<vmem_shared>>)
        %mul3A_413 = arith.constant 128 : i32
        %mul3A_414 = arith.muli %add3A_338, %mul3A_413 : i32
        %dma_start3A = arith.constant 0 : i32
        %dma_start3A_415 = tpu.memref_slice %arg2[%mul3A_414, %dma_start3A] : memref<100000x128xf32, #tpu.memory_space<hbm>> -> memref<128x128xf32, #tpu.memory_space<hbm>>
        %dma_start3A_416 = arith.constant 0 : i32
        %dma_start3A_417 = tpu.memref_slice %arg2[%mul3A_414, %dma_start3A_416] : memref<100000x128xf32, #tpu.memory_space<hbm>> -> memref<128x128xf32, #tpu.memory_space<hbm>>
        tpu.enqueue_dma source(%dma_start3A_417 : memref<128x128xf32, #tpu.memory_space<hbm>>) target(%arg8 : memref<128x128xf32, #tpu.memory_space<vmem>>) target_semaphore(%arg21 : memref<!tpu.dma_semaphore, #tpu.memory_space<semaphore_mem>>)
        %mul3A_418 = arith.constant 128 : i32
        %mul3A_419 = arith.muli %add3A_338, %mul3A_418 : i32
        %dma_start3A_420 = arith.constant 0 : i32
        %dma_start3A_421 = arith.constant 0 : i32
        %dma_start3A_422 = tpu.memref_slice %arg14[%dma_start3A_420, %dma_start3A_421] : memref<1x128xi32, #tpu.memory_space<vmem>> -> memref<1x128xi32, #tpu.memory_space<vmem>>
        %dma_start3A_423 = tpu.memref_squeeze %dma_start3A_422 : memref<1x128xi32, #tpu.memory_space<vmem>> -> memref<128xi32, #tpu.memory_space<vmem>>
        %dma_start3A_424 = tpu.memref_slice %arg3[%mul3A_419] : memref<100000xi32, #tpu.memory_space<hbm>> -> memref<128xi32, #tpu.memory_space<hbm>>
        %dma_start3A_425 = arith.constant 0 : i32
        %dma_start3A_426 = tpu.memref_slice %arg14[%dma_start3A_420, %dma_start3A_425] : memref<1x128xi32, #tpu.memory_space<vmem>> -> memref<1x128xi32, #tpu.memory_space<vmem>>
        %dma_start3A_427 = tpu.memref_squeeze %dma_start3A_426 : memref<1x128xi32, #tpu.memory_space<vmem>> -> memref<128xi32, #tpu.memory_space<vmem>>
        %dma_start3A_428 = tpu.memref_slice %arg3[%mul3A_419] : memref<100000xi32, #tpu.memory_space<hbm>> -> memref<128xi32, #tpu.memory_space<hbm>>
        tpu.enqueue_dma source(%dma_start3A_428 : memref<128xi32, #tpu.memory_space<hbm>>) target(%dma_start3A_427 : memref<128xi32, #tpu.memory_space<vmem>>) target_semaphore(%arg21 : memref<!tpu.dma_semaphore, #tpu.memory_space<semaphore_mem>>)
      } else {
      }
      %mul3A_344 = arith.constant 6 : i32
      %mul3A_345 = arith.muli %mul3A_344, %scan3A_280 : i32
      %add3A_346 = arith.constant 2 : i32
      %add3A_347 = arith.addi %add3A_346, %mul3A_345 : i32
      %add3A_348 = arith.constant 3 : i32
      %add3A_349 = arith.addi %add3A_347, %add3A_348 : i32
      %mul3A_350 = arith.constant 32 : i32
      %mul3A_351 = arith.muli %add3A_349, %mul3A_350 : i32
      %add3A_352 = arith.addi %add3A, %mul3A_351 : i32
      %lt3A_353 = arith.constant 781 : i32
      %lt3A_354 = arith.cmpi slt, %add3A_352, %lt3A_353 : i32
      %convert_element_type3A_355 = arith.extui %lt3A_354 : i1 to i32
      %cond3A_356 = arith.constant 0 : i32
      %cond3A_357 = arith.cmpi ne, %convert_element_type3A_355, %cond3A_356 : i32
      scf.if %cond3A_357 {
        %mul3A_407 = arith.constant 128 : i32
        %mul3A_408 = arith.muli %add3A_352, %mul3A_407 : i32
        %dma_wait3A = arith.constant 0 : i32
        %dma_wait3A_409 = tpu.memref_slice %arg2[%mul3A_408, %dma_wait3A] : memref<100000x128xf32, #tpu.memory_space<hbm>> -> memref<128x128xf32, #tpu.memory_space<hbm>>
        %dma_wait3A_410 = arith.constant 0 : i32
        %dma_wait3A_411 = tpu.memref_slice %arg2[%mul3A_408, %dma_wait3A_410] : memref<100000x128xf32, #tpu.memory_space<hbm>> -> memref<128x128xf32, #tpu.memory_space<hbm>>
        tpu.wait_dma2 semaphore(%arg24 : memref<!tpu.dma_semaphore, #tpu.memory_space<semaphore_mem>>) src(%dma_wait3A_411 : memref<128x128xf32, #tpu.memory_space<hbm>>) dst(%arg11 : memref<128x128xf32, #tpu.memory_space<vmem>>)
        %mul3A_412 = arith.constant 128 : i32
        %mul3A_413 = arith.muli %add3A_352, %mul3A_412 : i32
        %dma_wait3A_414 = arith.constant 0 : i32
        %dma_wait3A_415 = arith.constant 0 : i32
        %dma_wait3A_416 = tpu.memref_slice %arg17[%dma_wait3A_414, %dma_wait3A_415] : memref<1x128xi32, #tpu.memory_space<vmem>> -> memref<1x128xi32, #tpu.memory_space<vmem>>
        %dma_wait3A_417 = tpu.memref_squeeze %dma_wait3A_416 : memref<1x128xi32, #tpu.memory_space<vmem>> -> memref<128xi32, #tpu.memory_space<vmem>>
        %dma_wait3A_418 = tpu.memref_slice %arg3[%mul3A_413] : memref<100000xi32, #tpu.memory_space<hbm>> -> memref<128xi32, #tpu.memory_space<hbm>>
        %dma_wait3A_419 = arith.constant 0 : i32
        %dma_wait3A_420 = tpu.memref_slice %arg17[%dma_wait3A_414, %dma_wait3A_419] : memref<1x128xi32, #tpu.memory_space<vmem>> -> memref<1x128xi32, #tpu.memory_space<vmem>>
        %dma_wait3A_421 = tpu.memref_squeeze %dma_wait3A_420 : memref<1x128xi32, #tpu.memory_space<vmem>> -> memref<128xi32, #tpu.memory_space<vmem>>
        %dma_wait3A_422 = tpu.memref_slice %arg3[%mul3A_413] : memref<100000xi32, #tpu.memory_space<hbm>> -> memref<128xi32, #tpu.memory_space<hbm>>
        tpu.wait_dma2 semaphore(%arg24 : memref<!tpu.dma_semaphore, #tpu.memory_space<semaphore_mem>>) src(%dma_wait3A_422 : memref<128xi32, #tpu.memory_space<hbm>>) dst(%dma_wait3A_421 : memref<128xi32, #tpu.memory_space<vmem>>)
        %dma_start3A = arith.constant 0 : i32
        %dma_start3A_423 = arith.constant 0 : i32
        %dma_start3A_424 = tpu.memref_slice %arg17[%dma_start3A, %dma_start3A_423] : memref<1x128xi32, #tpu.memory_space<vmem>> -> memref<1x128xi32, #tpu.memory_space<vmem>>
        %dma_start3A_425 = tpu.memref_squeeze %dma_start3A_424 : memref<1x128xi32, #tpu.memory_space<vmem>> -> memref<128xi32, #tpu.memory_space<vmem>>
        %dma_start3A_426 = arith.constant 0 : i32
        %dma_start3A_427 = arith.constant 0 : i32
        %dma_start3A_428 = tpu.memref_slice %arg31[%dma_start3A_426, %dma_start3A_427] : memref<2048x128xf32, #tpu.memory_space<vmem_shared>> -> memref<2048x128xf32, #tpu.memory_space<vmem_shared>>
        tpu.enqueue_indirect_dma source(%arg11 : memref<128x128xf32, #tpu.memory_space<vmem>>) target(%dma_start3A_428 : memref<2048x128xf32, #tpu.memory_space<vmem_shared>>) offsets(%dma_start3A_425 : memref<128xi32, #tpu.memory_space<vmem>>) semaphore(%arg30 : memref<!tpu.dma_semaphore, #tpu.memory_space<semaphore_mem>>) {add = true}
      } else {
      }
      %add3A_358 = arith.constant 128 : i32
      %add3A_359 = arith.addi %add3A_352, %add3A_358 : i32
      %lt3A_360 = arith.constant 781 : i32
      %lt3A_361 = arith.cmpi slt, %add3A_359, %lt3A_360 : i32
      %convert_element_type3A_362 = arith.extui %lt3A_361 : i1 to i32
      %cond3A_363 = arith.constant 0 : i32
      %cond3A_364 = arith.cmpi ne, %convert_element_type3A_362, %cond3A_363 : i32
      scf.if %cond3A_364 {
        %dma_wait3A = arith.constant 0 : i32
        %dma_wait3A_407 = arith.constant 0 : i32
        %dma_wait3A_408 = tpu.memref_slice %arg15[%dma_wait3A, %dma_wait3A_407] : memref<1x128xi32, #tpu.memory_space<vmem>> -> memref<1x128xi32, #tpu.memory_space<vmem>>
        %dma_wait3A_409 = tpu.memref_squeeze %dma_wait3A_408 : memref<1x128xi32, #tpu.memory_space<vmem>> -> memref<128xi32, #tpu.memory_space<vmem>>
        %dma_wait3A_410 = arith.constant 0 : i32
        %dma_wait3A_411 = arith.constant 0 : i32
        %dma_wait3A_412 = tpu.memref_slice %arg31[%dma_wait3A_410, %dma_wait3A_411] : memref<2048x128xf32, #tpu.memory_space<vmem_shared>> -> memref<2048x128xf32, #tpu.memory_space<vmem_shared>>
        tpu.wait_indirect_dma semaphore(%arg28 : memref<!tpu.dma_semaphore, #tpu.memory_space<semaphore_mem>>) src(%arg9 : memref<128x128xf32, #tpu.memory_space<vmem>>) dst(%dma_wait3A_412 : memref<2048x128xf32, #tpu.memory_space<vmem_shared>>)
        %mul3A_413 = arith.constant 128 : i32
        %mul3A_414 = arith.muli %add3A_359, %mul3A_413 : i32
        %dma_start3A = arith.constant 0 : i32
        %dma_start3A_415 = tpu.memref_slice %arg2[%mul3A_414, %dma_start3A] : memref<100000x128xf32, #tpu.memory_space<hbm>> -> memref<128x128xf32, #tpu.memory_space<hbm>>
        %dma_start3A_416 = arith.constant 0 : i32
        %dma_start3A_417 = tpu.memref_slice %arg2[%mul3A_414, %dma_start3A_416] : memref<100000x128xf32, #tpu.memory_space<hbm>> -> memref<128x128xf32, #tpu.memory_space<hbm>>
        tpu.enqueue_dma source(%dma_start3A_417 : memref<128x128xf32, #tpu.memory_space<hbm>>) target(%arg9 : memref<128x128xf32, #tpu.memory_space<vmem>>) target_semaphore(%arg22 : memref<!tpu.dma_semaphore, #tpu.memory_space<semaphore_mem>>)
        %mul3A_418 = arith.constant 128 : i32
        %mul3A_419 = arith.muli %add3A_359, %mul3A_418 : i32
        %dma_start3A_420 = arith.constant 0 : i32
        %dma_start3A_421 = arith.constant 0 : i32
        %dma_start3A_422 = tpu.memref_slice %arg15[%dma_start3A_420, %dma_start3A_421] : memref<1x128xi32, #tpu.memory_space<vmem>> -> memref<1x128xi32, #tpu.memory_space<vmem>>
        %dma_start3A_423 = tpu.memref_squeeze %dma_start3A_422 : memref<1x128xi32, #tpu.memory_space<vmem>> -> memref<128xi32, #tpu.memory_space<vmem>>
        %dma_start3A_424 = tpu.memref_slice %arg3[%mul3A_419] : memref<100000xi32, #tpu.memory_space<hbm>> -> memref<128xi32, #tpu.memory_space<hbm>>
        %dma_start3A_425 = arith.constant 0 : i32
        %dma_start3A_426 = tpu.memref_slice %arg15[%dma_start3A_420, %dma_start3A_425] : memref<1x128xi32, #tpu.memory_space<vmem>> -> memref<1x128xi32, #tpu.memory_space<vmem>>
        %dma_start3A_427 = tpu.memref_squeeze %dma_start3A_426 : memref<1x128xi32, #tpu.memory_space<vmem>> -> memref<128xi32, #tpu.memory_space<vmem>>
        %dma_start3A_428 = tpu.memref_slice %arg3[%mul3A_419] : memref<100000xi32, #tpu.memory_space<hbm>> -> memref<128xi32, #tpu.memory_space<hbm>>
        tpu.enqueue_dma source(%dma_start3A_428 : memref<128xi32, #tpu.memory_space<hbm>>) target(%dma_start3A_427 : memref<128xi32, #tpu.memory_space<vmem>>) target_semaphore(%arg22 : memref<!tpu.dma_semaphore, #tpu.memory_space<semaphore_mem>>)
      } else {
      }
      %mul3A_365 = arith.constant 6 : i32
      %mul3A_366 = arith.muli %mul3A_365, %scan3A_280 : i32
      %add3A_367 = arith.constant 2 : i32
      %add3A_368 = arith.addi %add3A_367, %mul3A_366 : i32
      %add3A_369 = arith.constant 4 : i32
      %add3A_370 = arith.addi %add3A_368, %add3A_369 : i32
      %mul3A_371 = arith.constant 32 : i32
      %mul3A_372 = arith.muli %add3A_370, %mul3A_371 : i32
      %add3A_373 = arith.addi %add3A, %mul3A_372 : i32
      %lt3A_374 = arith.constant 781 : i32
      %lt3A_375 = arith.cmpi slt, %add3A_373, %lt3A_374 : i32
      %convert_element_type3A_376 = arith.extui %lt3A_375 : i1 to i32
      %cond3A_377 = arith.constant 0 : i32
      %cond3A_378 = arith.cmpi ne, %convert_element_type3A_376, %cond3A_377 : i32
      scf.if %cond3A_378 {
        %mul3A_407 = arith.constant 128 : i32
        %mul3A_408 = arith.muli %add3A_373, %mul3A_407 : i32
        %dma_wait3A = arith.constant 0 : i32
        %dma_wait3A_409 = tpu.memref_slice %arg2[%mul3A_408, %dma_wait3A] : memref<100000x128xf32, #tpu.memory_space<hbm>> -> memref<128x128xf32, #tpu.memory_space<hbm>>
        %dma_wait3A_410 = arith.constant 0 : i32
        %dma_wait3A_411 = tpu.memref_slice %arg2[%mul3A_408, %dma_wait3A_410] : memref<100000x128xf32, #tpu.memory_space<hbm>> -> memref<128x128xf32, #tpu.memory_space<hbm>>
        tpu.wait_dma2 semaphore(%arg19 : memref<!tpu.dma_semaphore, #tpu.memory_space<semaphore_mem>>) src(%dma_wait3A_411 : memref<128x128xf32, #tpu.memory_space<hbm>>) dst(%arg6 : memref<128x128xf32, #tpu.memory_space<vmem>>)
        %mul3A_412 = arith.constant 128 : i32
        %mul3A_413 = arith.muli %add3A_373, %mul3A_412 : i32
        %dma_wait3A_414 = arith.constant 0 : i32
        %dma_wait3A_415 = arith.constant 0 : i32
        %dma_wait3A_416 = tpu.memref_slice %arg12[%dma_wait3A_414, %dma_wait3A_415] : memref<1x128xi32, #tpu.memory_space<vmem>> -> memref<1x128xi32, #tpu.memory_space<vmem>>
        %dma_wait3A_417 = tpu.memref_squeeze %dma_wait3A_416 : memref<1x128xi32, #tpu.memory_space<vmem>> -> memref<128xi32, #tpu.memory_space<vmem>>
        %dma_wait3A_418 = tpu.memref_slice %arg3[%mul3A_413] : memref<100000xi32, #tpu.memory_space<hbm>> -> memref<128xi32, #tpu.memory_space<hbm>>
        %dma_wait3A_419 = arith.constant 0 : i32
        %dma_wait3A_420 = tpu.memref_slice %arg12[%dma_wait3A_414, %dma_wait3A_419] : memref<1x128xi32, #tpu.memory_space<vmem>> -> memref<1x128xi32, #tpu.memory_space<vmem>>
        %dma_wait3A_421 = tpu.memref_squeeze %dma_wait3A_420 : memref<1x128xi32, #tpu.memory_space<vmem>> -> memref<128xi32, #tpu.memory_space<vmem>>
        %dma_wait3A_422 = tpu.memref_slice %arg3[%mul3A_413] : memref<100000xi32, #tpu.memory_space<hbm>> -> memref<128xi32, #tpu.memory_space<hbm>>
        tpu.wait_dma2 semaphore(%arg19 : memref<!tpu.dma_semaphore, #tpu.memory_space<semaphore_mem>>) src(%dma_wait3A_422 : memref<128xi32, #tpu.memory_space<hbm>>) dst(%dma_wait3A_421 : memref<128xi32, #tpu.memory_space<vmem>>)
        %dma_start3A = arith.constant 0 : i32
        %dma_start3A_423 = arith.constant 0 : i32
        %dma_start3A_424 = tpu.memref_slice %arg12[%dma_start3A, %dma_start3A_423] : memref<1x128xi32, #tpu.memory_space<vmem>> -> memref<1x128xi32, #tpu.memory_space<vmem>>
        %dma_start3A_425 = tpu.memref_squeeze %dma_start3A_424 : memref<1x128xi32, #tpu.memory_space<vmem>> -> memref<128xi32, #tpu.memory_space<vmem>>
        %dma_start3A_426 = arith.constant 0 : i32
        %dma_start3A_427 = arith.constant 0 : i32
        %dma_start3A_428 = tpu.memref_slice %arg31[%dma_start3A_426, %dma_start3A_427] : memref<2048x128xf32, #tpu.memory_space<vmem_shared>> -> memref<2048x128xf32, #tpu.memory_space<vmem_shared>>
        tpu.enqueue_indirect_dma source(%arg6 : memref<128x128xf32, #tpu.memory_space<vmem>>) target(%dma_start3A_428 : memref<2048x128xf32, #tpu.memory_space<vmem_shared>>) offsets(%dma_start3A_425 : memref<128xi32, #tpu.memory_space<vmem>>) semaphore(%arg25 : memref<!tpu.dma_semaphore, #tpu.memory_space<semaphore_mem>>) {add = true}
      } else {
      }
      %add3A_379 = arith.constant 128 : i32
      %add3A_380 = arith.addi %add3A_373, %add3A_379 : i32
      %lt3A_381 = arith.constant 781 : i32
      %lt3A_382 = arith.cmpi slt, %add3A_380, %lt3A_381 : i32
      %convert_element_type3A_383 = arith.extui %lt3A_382 : i1 to i32
      %cond3A_384 = arith.constant 0 : i32
      %cond3A_385 = arith.cmpi ne, %convert_element_type3A_383, %cond3A_384 : i32
      scf.if %cond3A_385 {
        %dma_wait3A = arith.constant 0 : i32
        %dma_wait3A_407 = arith.constant 0 : i32
        %dma_wait3A_408 = tpu.memref_slice %arg16[%dma_wait3A, %dma_wait3A_407] : memref<1x128xi32, #tpu.memory_space<vmem>> -> memref<1x128xi32, #tpu.memory_space<vmem>>
        %dma_wait3A_409 = tpu.memref_squeeze %dma_wait3A_408 : memref<1x128xi32, #tpu.memory_space<vmem>> -> memref<128xi32, #tpu.memory_space<vmem>>
        %dma_wait3A_410 = arith.constant 0 : i32
        %dma_wait3A_411 = arith.constant 0 : i32
        %dma_wait3A_412 = tpu.memref_slice %arg31[%dma_wait3A_410, %dma_wait3A_411] : memref<2048x128xf32, #tpu.memory_space<vmem_shared>> -> memref<2048x128xf32, #tpu.memory_space<vmem_shared>>
        tpu.wait_indirect_dma semaphore(%arg29 : memref<!tpu.dma_semaphore, #tpu.memory_space<semaphore_mem>>) src(%arg10 : memref<128x128xf32, #tpu.memory_space<vmem>>) dst(%dma_wait3A_412 : memref<2048x128xf32, #tpu.memory_space<vmem_shared>>)
        %mul3A_413 = arith.constant 128 : i32
        %mul3A_414 = arith.muli %add3A_380, %mul3A_413 : i32
        %dma_start3A = arith.constant 0 : i32
        %dma_start3A_415 = tpu.memref_slice %arg2[%mul3A_414, %dma_start3A] : memref<100000x128xf32, #tpu.memory_space<hbm>> -> memref<128x128xf32, #tpu.memory_space<hbm>>
        %dma_start3A_416 = arith.constant 0 : i32
        %dma_start3A_417 = tpu.memref_slice %arg2[%mul3A_414, %dma_start3A_416] : memref<100000x128xf32, #tpu.memory_space<hbm>> -> memref<128x128xf32, #tpu.memory_space<hbm>>
        tpu.enqueue_dma source(%dma_start3A_417 : memref<128x128xf32, #tpu.memory_space<hbm>>) target(%arg10 : memref<128x128xf32, #tpu.memory_space<vmem>>) target_semaphore(%arg23 : memref<!tpu.dma_semaphore, #tpu.memory_space<semaphore_mem>>)
        %mul3A_418 = arith.constant 128 : i32
        %mul3A_419 = arith.muli %add3A_380, %mul3A_418 : i32
        %dma_start3A_420 = arith.constant 0 : i32
        %dma_start3A_421 = arith.constant 0 : i32
        %dma_start3A_422 = tpu.memref_slice %arg16[%dma_start3A_420, %dma_start3A_421] : memref<1x128xi32, #tpu.memory_space<vmem>> -> memref<1x128xi32, #tpu.memory_space<vmem>>
        %dma_start3A_423 = tpu.memref_squeeze %dma_start3A_422 : memref<1x128xi32, #tpu.memory_space<vmem>> -> memref<128xi32, #tpu.memory_space<vmem>>
        %dma_start3A_424 = tpu.memref_slice %arg3[%mul3A_419] : memref<100000xi32, #tpu.memory_space<hbm>> -> memref<128xi32, #tpu.memory_space<hbm>>
        %dma_start3A_425 = arith.constant 0 : i32
        %dma_start3A_426 = tpu.memref_slice %arg16[%dma_start3A_420, %dma_start3A_425] : memref<1x128xi32, #tpu.memory_space<vmem>> -> memref<1x128xi32, #tpu.memory_space<vmem>>
        %dma_start3A_427 = tpu.memref_squeeze %dma_start3A_426 : memref<1x128xi32, #tpu.memory_space<vmem>> -> memref<128xi32, #tpu.memory_space<vmem>>
        %dma_start3A_428 = tpu.memref_slice %arg3[%mul3A_419] : memref<100000xi32, #tpu.memory_space<hbm>> -> memref<128xi32, #tpu.memory_space<hbm>>
        tpu.enqueue_dma source(%dma_start3A_428 : memref<128xi32, #tpu.memory_space<hbm>>) target(%dma_start3A_427 : memref<128xi32, #tpu.memory_space<vmem>>) target_semaphore(%arg23 : memref<!tpu.dma_semaphore, #tpu.memory_space<semaphore_mem>>)
      } else {
      }
      %mul3A_386 = arith.constant 6 : i32
      %mul3A_387 = arith.muli %mul3A_386, %scan3A_280 : i32
      %add3A_388 = arith.constant 2 : i32
      %add3A_389 = arith.addi %add3A_388, %mul3A_387 : i32
      %add3A_390 = arith.constant 5 : i32
      %add3A_391 = arith.addi %add3A_389, %add3A_390 : i32
      %mul3A_392 = arith.constant 32 : i32
      %mul3A_393 = arith.muli %add3A_391, %mul3A_392 : i32
      %add3A_394 = arith.addi %add3A, %mul3A_393 : i32
      %lt3A_395 = arith.constant 781 : i32
      %lt3A_396 = arith.cmpi slt, %add3A_394, %lt3A_395 : i32
      %convert_element_type3A_397 = arith.extui %lt3A_396 : i1 to i32
      %cond3A_398 = arith.constant 0 : i32
      %cond3A_399 = arith.cmpi ne, %convert_element_type3A_397, %cond3A_398 : i32
      scf.if %cond3A_399 {
        %mul3A_407 = arith.constant 128 : i32
        %mul3A_408 = arith.muli %add3A_394, %mul3A_407 : i32
        %dma_wait3A = arith.constant 0 : i32
        %dma_wait3A_409 = tpu.memref_slice %arg2[%mul3A_408, %dma_wait3A] : memref<100000x128xf32, #tpu.memory_space<hbm>> -> memref<128x128xf32, #tpu.memory_space<hbm>>
        %dma_wait3A_410 = arith.constant 0 : i32
        %dma_wait3A_411 = tpu.memref_slice %arg2[%mul3A_408, %dma_wait3A_410] : memref<100000x128xf32, #tpu.memory_space<hbm>> -> memref<128x128xf32, #tpu.memory_space<hbm>>
        tpu.wait_dma2 semaphore(%arg20 : memref<!tpu.dma_semaphore, #tpu.memory_space<semaphore_mem>>) src(%dma_wait3A_411 : memref<128x128xf32, #tpu.memory_space<hbm>>) dst(%arg7 : memref<128x128xf32, #tpu.memory_space<vmem>>)
        %mul3A_412 = arith.constant 128 : i32
        %mul3A_413 = arith.muli %add3A_394, %mul3A_412 : i32
        %dma_wait3A_414 = arith.constant 0 : i32
        %dma_wait3A_415 = arith.constant 0 : i32
        %dma_wait3A_416 = tpu.memref_slice %arg13[%dma_wait3A_414, %dma_wait3A_415] : memref<1x128xi32, #tpu.memory_space<vmem>> -> memref<1x128xi32, #tpu.memory_space<vmem>>
        %dma_wait3A_417 = tpu.memref_squeeze %dma_wait3A_416 : memref<1x128xi32, #tpu.memory_space<vmem>> -> memref<128xi32, #tpu.memory_space<vmem>>
        %dma_wait3A_418 = tpu.memref_slice %arg3[%mul3A_413] : memref<100000xi32, #tpu.memory_space<hbm>> -> memref<128xi32, #tpu.memory_space<hbm>>
        %dma_wait3A_419 = arith.constant 0 : i32
        %dma_wait3A_420 = tpu.memref_slice %arg13[%dma_wait3A_414, %dma_wait3A_419] : memref<1x128xi32, #tpu.memory_space<vmem>> -> memref<1x128xi32, #tpu.memory_space<vmem>>
        %dma_wait3A_421 = tpu.memref_squeeze %dma_wait3A_420 : memref<1x128xi32, #tpu.memory_space<vmem>> -> memref<128xi32, #tpu.memory_space<vmem>>
        %dma_wait3A_422 = tpu.memref_slice %arg3[%mul3A_413] : memref<100000xi32, #tpu.memory_space<hbm>> -> memref<128xi32, #tpu.memory_space<hbm>>
        tpu.wait_dma2 semaphore(%arg20 : memref<!tpu.dma_semaphore, #tpu.memory_space<semaphore_mem>>) src(%dma_wait3A_422 : memref<128xi32, #tpu.memory_space<hbm>>) dst(%dma_wait3A_421 : memref<128xi32, #tpu.memory_space<vmem>>)
        %dma_start3A = arith.constant 0 : i32
        %dma_start3A_423 = arith.constant 0 : i32
        %dma_start3A_424 = tpu.memref_slice %arg13[%dma_start3A, %dma_start3A_423] : memref<1x128xi32, #tpu.memory_space<vmem>> -> memref<1x128xi32, #tpu.memory_space<vmem>>
        %dma_start3A_425 = tpu.memref_squeeze %dma_start3A_424 : memref<1x128xi32, #tpu.memory_space<vmem>> -> memref<128xi32, #tpu.memory_space<vmem>>
        %dma_start3A_426 = arith.constant 0 : i32
        %dma_start3A_427 = arith.constant 0 : i32
        %dma_start3A_428 = tpu.memref_slice %arg31[%dma_start3A_426, %dma_start3A_427] : memref<2048x128xf32, #tpu.memory_space<vmem_shared>> -> memref<2048x128xf32, #tpu.memory_space<vmem_shared>>
        tpu.enqueue_indirect_dma source(%arg7 : memref<128x128xf32, #tpu.memory_space<vmem>>) target(%dma_start3A_428 : memref<2048x128xf32, #tpu.memory_space<vmem_shared>>) offsets(%dma_start3A_425 : memref<128xi32, #tpu.memory_space<vmem>>) semaphore(%arg26 : memref<!tpu.dma_semaphore, #tpu.memory_space<semaphore_mem>>) {add = true}
      } else {
      }
      %add3A_400 = arith.constant 128 : i32
      %add3A_401 = arith.addi %add3A_394, %add3A_400 : i32
      %lt3A_402 = arith.constant 781 : i32
      %lt3A_403 = arith.cmpi slt, %add3A_401, %lt3A_402 : i32
      %convert_element_type3A_404 = arith.extui %lt3A_403 : i1 to i32
      %cond3A_405 = arith.constant 0 : i32
      %cond3A_406 = arith.cmpi ne, %convert_element_type3A_404, %cond3A_405 : i32
      scf.if %cond3A_406 {
        %dma_wait3A = arith.constant 0 : i32
        %dma_wait3A_407 = arith.constant 0 : i32
        %dma_wait3A_408 = tpu.memref_slice %arg17[%dma_wait3A, %dma_wait3A_407] : memref<1x128xi32, #tpu.memory_space<vmem>> -> memref<1x128xi32, #tpu.memory_space<vmem>>
        %dma_wait3A_409 = tpu.memref_squeeze %dma_wait3A_408 : memref<1x128xi32, #tpu.memory_space<vmem>> -> memref<128xi32, #tpu.memory_space<vmem>>
        %dma_wait3A_410 = arith.constant 0 : i32
        %dma_wait3A_411 = arith.constant 0 : i32
        %dma_wait3A_412 = tpu.memref_slice %arg31[%dma_wait3A_410, %dma_wait3A_411] : memref<2048x128xf32, #tpu.memory_space<vmem_shared>> -> memref<2048x128xf32, #tpu.memory_space<vmem_shared>>
        tpu.wait_indirect_dma semaphore(%arg30 : memref<!tpu.dma_semaphore, #tpu.memory_space<semaphore_mem>>) src(%arg11 : memref<128x128xf32, #tpu.memory_space<vmem>>) dst(%dma_wait3A_412 : memref<2048x128xf32, #tpu.memory_space<vmem_shared>>)
        %mul3A_413 = arith.constant 128 : i32
        %mul3A_414 = arith.muli %add3A_401, %mul3A_413 : i32
        %dma_start3A = arith.constant 0 : i32
        %dma_start3A_415 = tpu.memref_slice %arg2[%mul3A_414, %dma_start3A] : memref<100000x128xf32, #tpu.memory_space<hbm>> -> memref<128x128xf32, #tpu.memory_space<hbm>>
        %dma_start3A_416 = arith.constant 0 : i32
        %dma_start3A_417 = tpu.memref_slice %arg2[%mul3A_414, %dma_start3A_416] : memref<100000x128xf32, #tpu.memory_space<hbm>> -> memref<128x128xf32, #tpu.memory_space<hbm>>
        tpu.enqueue_dma source(%dma_start3A_417 : memref<128x128xf32, #tpu.memory_space<hbm>>) target(%arg11 : memref<128x128xf32, #tpu.memory_space<vmem>>) target_semaphore(%arg24 : memref<!tpu.dma_semaphore, #tpu.memory_space<semaphore_mem>>)
        %mul3A_418 = arith.constant 128 : i32
        %mul3A_419 = arith.muli %add3A_401, %mul3A_418 : i32
        %dma_start3A_420 = arith.constant 0 : i32
        %dma_start3A_421 = arith.constant 0 : i32
        %dma_start3A_422 = tpu.memref_slice %arg17[%dma_start3A_420, %dma_start3A_421] : memref<1x128xi32, #tpu.memory_space<vmem>> -> memref<1x128xi32, #tpu.memory_space<vmem>>
        %dma_start3A_423 = tpu.memref_squeeze %dma_start3A_422 : memref<1x128xi32, #tpu.memory_space<vmem>> -> memref<128xi32, #tpu.memory_space<vmem>>
        %dma_start3A_424 = tpu.memref_slice %arg3[%mul3A_419] : memref<100000xi32, #tpu.memory_space<hbm>> -> memref<128xi32, #tpu.memory_space<hbm>>
        %dma_start3A_425 = arith.constant 0 : i32
        %dma_start3A_426 = tpu.memref_slice %arg17[%dma_start3A_420, %dma_start3A_425] : memref<1x128xi32, #tpu.memory_space<vmem>> -> memref<1x128xi32, #tpu.memory_space<vmem>>
        %dma_start3A_427 = tpu.memref_squeeze %dma_start3A_426 : memref<1x128xi32, #tpu.memory_space<vmem>> -> memref<128xi32, #tpu.memory_space<vmem>>
        %dma_start3A_428 = tpu.memref_slice %arg3[%mul3A_419] : memref<100000xi32, #tpu.memory_space<hbm>> -> memref<128xi32, #tpu.memory_space<hbm>>
        tpu.enqueue_dma source(%dma_start3A_428 : memref<128xi32, #tpu.memory_space<hbm>>) target(%dma_start3A_427 : memref<128xi32, #tpu.memory_space<vmem>>) target_semaphore(%arg24 : memref<!tpu.dma_semaphore, #tpu.memory_space<semaphore_mem>>)
      } else {
      }
    }
    %scan3A_60 = arith.constant 3 : i32
    %add3A_61 = arith.constant 640 : i32
    %add3A_62 = arith.addi %add3A, %add3A_61 : i32
    %lt3A_63 = arith.constant 781 : i32
    %lt3A_64 = arith.cmpi slt, %add3A_62, %lt3A_63 : i32
    %convert_element_type3A_65 = arith.extui %lt3A_64 : i1 to i32
    %cond3A_66 = arith.constant 0 : i32
    %cond3A_67 = arith.cmpi ne, %convert_element_type3A_65, %cond3A_66 : i32
    scf.if %cond3A_67 {
      %mul3A_280 = arith.constant 128 : i32
      %mul3A_281 = arith.muli %add3A_62, %mul3A_280 : i32
      %dma_wait3A = arith.constant 0 : i32
      %dma_wait3A_282 = tpu.memref_slice %arg2[%mul3A_281, %dma_wait3A] : memref<100000x128xf32, #tpu.memory_space<hbm>> -> memref<128x128xf32, #tpu.memory_space<hbm>>
      %dma_wait3A_283 = arith.constant 0 : i32
      %dma_wait3A_284 = tpu.memref_slice %arg2[%mul3A_281, %dma_wait3A_283] : memref<100000x128xf32, #tpu.memory_space<hbm>> -> memref<128x128xf32, #tpu.memory_space<hbm>>
      tpu.wait_dma2 semaphore(%arg21 : memref<!tpu.dma_semaphore, #tpu.memory_space<semaphore_mem>>) src(%dma_wait3A_284 : memref<128x128xf32, #tpu.memory_space<hbm>>) dst(%arg8 : memref<128x128xf32, #tpu.memory_space<vmem>>)
      %mul3A_285 = arith.constant 128 : i32
      %mul3A_286 = arith.muli %add3A_62, %mul3A_285 : i32
      %dma_wait3A_287 = arith.constant 0 : i32
      %dma_wait3A_288 = arith.constant 0 : i32
      %dma_wait3A_289 = tpu.memref_slice %arg14[%dma_wait3A_287, %dma_wait3A_288] : memref<1x128xi32, #tpu.memory_space<vmem>> -> memref<1x128xi32, #tpu.memory_space<vmem>>
      %dma_wait3A_290 = tpu.memref_squeeze %dma_wait3A_289 : memref<1x128xi32, #tpu.memory_space<vmem>> -> memref<128xi32, #tpu.memory_space<vmem>>
      %dma_wait3A_291 = tpu.memref_slice %arg3[%mul3A_286] : memref<100000xi32, #tpu.memory_space<hbm>> -> memref<128xi32, #tpu.memory_space<hbm>>
      %dma_wait3A_292 = arith.constant 0 : i32
      %dma_wait3A_293 = tpu.memref_slice %arg14[%dma_wait3A_287, %dma_wait3A_292] : memref<1x128xi32, #tpu.memory_space<vmem>> -> memref<1x128xi32, #tpu.memory_space<vmem>>
      %dma_wait3A_294 = tpu.memref_squeeze %dma_wait3A_293 : memref<1x128xi32, #tpu.memory_space<vmem>> -> memref<128xi32, #tpu.memory_space<vmem>>
      %dma_wait3A_295 = tpu.memref_slice %arg3[%mul3A_286] : memref<100000xi32, #tpu.memory_space<hbm>> -> memref<128xi32, #tpu.memory_space<hbm>>
      tpu.wait_dma2 semaphore(%arg21 : memref<!tpu.dma_semaphore, #tpu.memory_space<semaphore_mem>>) src(%dma_wait3A_295 : memref<128xi32, #tpu.memory_space<hbm>>) dst(%dma_wait3A_294 : memref<128xi32, #tpu.memory_space<vmem>>)
      %dma_start3A = arith.constant 0 : i32
      %dma_start3A_296 = arith.constant 0 : i32
      %dma_start3A_297 = tpu.memref_slice %arg14[%dma_start3A, %dma_start3A_296] : memref<1x128xi32, #tpu.memory_space<vmem>> -> memref<1x128xi32, #tpu.memory_space<vmem>>
      %dma_start3A_298 = tpu.memref_squeeze %dma_start3A_297 : memref<1x128xi32, #tpu.memory_space<vmem>> -> memref<128xi32, #tpu.memory_space<vmem>>
      %dma_start3A_299 = arith.constant 0 : i32
      %dma_start3A_300 = arith.constant 0 : i32
      %dma_start3A_301 = tpu.memref_slice %arg31[%dma_start3A_299, %dma_start3A_300] : memref<2048x128xf32, #tpu.memory_space<vmem_shared>> -> memref<2048x128xf32, #tpu.memory_space<vmem_shared>>
      tpu.enqueue_indirect_dma source(%arg8 : memref<128x128xf32, #tpu.memory_space<vmem>>) target(%dma_start3A_301 : memref<2048x128xf32, #tpu.memory_space<vmem_shared>>) offsets(%dma_start3A_298 : memref<128xi32, #tpu.memory_space<vmem>>) semaphore(%arg27 : memref<!tpu.dma_semaphore, #tpu.memory_space<semaphore_mem>>) {add = true}
    } else {
    }
    %add3A_68 = arith.constant 768 : i32
    %add3A_69 = arith.addi %add3A, %add3A_68 : i32
    %lt3A_70 = arith.constant 781 : i32
    %lt3A_71 = arith.cmpi slt, %add3A_69, %lt3A_70 : i32
    %convert_element_type3A_72 = arith.extui %lt3A_71 : i1 to i32
    %cond3A_73 = arith.constant 0 : i32
    %cond3A_74 = arith.cmpi ne, %convert_element_type3A_72, %cond3A_73 : i32
    scf.if %cond3A_74 {
      %dma_wait3A = arith.constant 0 : i32
      %dma_wait3A_280 = arith.constant 0 : i32
      %dma_wait3A_281 = tpu.memref_slice %arg12[%dma_wait3A, %dma_wait3A_280] : memref<1x128xi32, #tpu.memory_space<vmem>> -> memref<1x128xi32, #tpu.memory_space<vmem>>
      %dma_wait3A_282 = tpu.memref_squeeze %dma_wait3A_281 : memref<1x128xi32, #tpu.memory_space<vmem>> -> memref<128xi32, #tpu.memory_space<vmem>>
      %dma_wait3A_283 = arith.constant 0 : i32
      %dma_wait3A_284 = arith.constant 0 : i32
      %dma_wait3A_285 = tpu.memref_slice %arg31[%dma_wait3A_283, %dma_wait3A_284] : memref<2048x128xf32, #tpu.memory_space<vmem_shared>> -> memref<2048x128xf32, #tpu.memory_space<vmem_shared>>
      tpu.wait_indirect_dma semaphore(%arg25 : memref<!tpu.dma_semaphore, #tpu.memory_space<semaphore_mem>>) src(%arg6 : memref<128x128xf32, #tpu.memory_space<vmem>>) dst(%dma_wait3A_285 : memref<2048x128xf32, #tpu.memory_space<vmem_shared>>)
      %mul3A_286 = arith.constant 128 : i32
      %mul3A_287 = arith.muli %add3A_69, %mul3A_286 : i32
      %dma_start3A = arith.constant 0 : i32
      %dma_start3A_288 = tpu.memref_slice %arg2[%mul3A_287, %dma_start3A] : memref<100000x128xf32, #tpu.memory_space<hbm>> -> memref<128x128xf32, #tpu.memory_space<hbm>>
      %dma_start3A_289 = arith.constant 0 : i32
      %dma_start3A_290 = tpu.memref_slice %arg2[%mul3A_287, %dma_start3A_289] : memref<100000x128xf32, #tpu.memory_space<hbm>> -> memref<128x128xf32, #tpu.memory_space<hbm>>
      tpu.enqueue_dma source(%dma_start3A_290 : memref<128x128xf32, #tpu.memory_space<hbm>>) target(%arg6 : memref<128x128xf32, #tpu.memory_space<vmem>>) target_semaphore(%arg19 : memref<!tpu.dma_semaphore, #tpu.memory_space<semaphore_mem>>)
      %mul3A_291 = arith.constant 128 : i32
      %mul3A_292 = arith.muli %add3A_69, %mul3A_291 : i32
      %dma_start3A_293 = arith.constant 0 : i32
      %dma_start3A_294 = arith.constant 0 : i32
      %dma_start3A_295 = tpu.memref_slice %arg12[%dma_start3A_293, %dma_start3A_294] : memref<1x128xi32, #tpu.memory_space<vmem>> -> memref<1x128xi32, #tpu.memory_space<vmem>>
      %dma_start3A_296 = tpu.memref_squeeze %dma_start3A_295 : memref<1x128xi32, #tpu.memory_space<vmem>> -> memref<128xi32, #tpu.memory_space<vmem>>
      %dma_start3A_297 = tpu.memref_slice %arg3[%mul3A_292] : memref<100000xi32, #tpu.memory_space<hbm>> -> memref<128xi32, #tpu.memory_space<hbm>>
      %dma_start3A_298 = arith.constant 0 : i32
      %dma_start3A_299 = tpu.memref_slice %arg12[%dma_start3A_293, %dma_start3A_298] : memref<1x128xi32, #tpu.memory_space<vmem>> -> memref<1x128xi32, #tpu.memory_space<vmem>>
      %dma_start3A_300 = tpu.memref_squeeze %dma_start3A_299 : memref<1x128xi32, #tpu.memory_space<vmem>> -> memref<128xi32, #tpu.memory_space<vmem>>
      %dma_start3A_301 = tpu.memref_slice %arg3[%mul3A_292] : memref<100000xi32, #tpu.memory_space<hbm>> -> memref<128xi32, #tpu.memory_space<hbm>>
      tpu.enqueue_dma source(%dma_start3A_301 : memref<128xi32, #tpu.memory_space<hbm>>) target(%dma_start3A_300 : memref<128xi32, #tpu.memory_space<vmem>>) target_semaphore(%arg19 : memref<!tpu.dma_semaphore, #tpu.memory_space<semaphore_mem>>)
    } else {
    }
    %add3A_75 = arith.constant 672 : i32
    %add3A_76 = arith.addi %add3A, %add3A_75 : i32
    %lt3A_77 = arith.constant 781 : i32
    %lt3A_78 = arith.cmpi slt, %add3A_76, %lt3A_77 : i32
    %convert_element_type3A_79 = arith.extui %lt3A_78 : i1 to i32
    %cond3A_80 = arith.constant 0 : i32
    %cond3A_81 = arith.cmpi ne, %convert_element_type3A_79, %cond3A_80 : i32
    scf.if %cond3A_81 {
      %mul3A_280 = arith.constant 128 : i32
      %mul3A_281 = arith.muli %add3A_76, %mul3A_280 : i32
      %dma_wait3A = arith.constant 0 : i32
      %dma_wait3A_282 = tpu.memref_slice %arg2[%mul3A_281, %dma_wait3A] : memref<100000x128xf32, #tpu.memory_space<hbm>> -> memref<128x128xf32, #tpu.memory_space<hbm>>
      %dma_wait3A_283 = arith.constant 0 : i32
      %dma_wait3A_284 = tpu.memref_slice %arg2[%mul3A_281, %dma_wait3A_283] : memref<100000x128xf32, #tpu.memory_space<hbm>> -> memref<128x128xf32, #tpu.memory_space<hbm>>
      tpu.wait_dma2 semaphore(%arg22 : memref<!tpu.dma_semaphore, #tpu.memory_space<semaphore_mem>>) src(%dma_wait3A_284 : memref<128x128xf32, #tpu.memory_space<hbm>>) dst(%arg9 : memref<128x128xf32, #tpu.memory_space<vmem>>)
      %mul3A_285 = arith.constant 128 : i32
      %mul3A_286 = arith.muli %add3A_76, %mul3A_285 : i32
      %dma_wait3A_287 = arith.constant 0 : i32
      %dma_wait3A_288 = arith.constant 0 : i32
      %dma_wait3A_289 = tpu.memref_slice %arg15[%dma_wait3A_287, %dma_wait3A_288] : memref<1x128xi32, #tpu.memory_space<vmem>> -> memref<1x128xi32, #tpu.memory_space<vmem>>
      %dma_wait3A_290 = tpu.memref_squeeze %dma_wait3A_289 : memref<1x128xi32, #tpu.memory_space<vmem>> -> memref<128xi32, #tpu.memory_space<vmem>>
      %dma_wait3A_291 = tpu.memref_slice %arg3[%mul3A_286] : memref<100000xi32, #tpu.memory_space<hbm>> -> memref<128xi32, #tpu.memory_space<hbm>>
      %dma_wait3A_292 = arith.constant 0 : i32
      %dma_wait3A_293 = tpu.memref_slice %arg15[%dma_wait3A_287, %dma_wait3A_292] : memref<1x128xi32, #tpu.memory_space<vmem>> -> memref<1x128xi32, #tpu.memory_space<vmem>>
      %dma_wait3A_294 = tpu.memref_squeeze %dma_wait3A_293 : memref<1x128xi32, #tpu.memory_space<vmem>> -> memref<128xi32, #tpu.memory_space<vmem>>
      %dma_wait3A_295 = tpu.memref_slice %arg3[%mul3A_286] : memref<100000xi32, #tpu.memory_space<hbm>> -> memref<128xi32, #tpu.memory_space<hbm>>
      tpu.wait_dma2 semaphore(%arg22 : memref<!tpu.dma_semaphore, #tpu.memory_space<semaphore_mem>>) src(%dma_wait3A_295 : memref<128xi32, #tpu.memory_space<hbm>>) dst(%dma_wait3A_294 : memref<128xi32, #tpu.memory_space<vmem>>)
      %dma_start3A = arith.constant 0 : i32
      %dma_start3A_296 = arith.constant 0 : i32
      %dma_start3A_297 = tpu.memref_slice %arg15[%dma_start3A, %dma_start3A_296] : memref<1x128xi32, #tpu.memory_space<vmem>> -> memref<1x128xi32, #tpu.memory_space<vmem>>
      %dma_start3A_298 = tpu.memref_squeeze %dma_start3A_297 : memref<1x128xi32, #tpu.memory_space<vmem>> -> memref<128xi32, #tpu.memory_space<vmem>>
      %dma_start3A_299 = arith.constant 0 : i32
      %dma_start3A_300 = arith.constant 0 : i32
      %dma_start3A_301 = tpu.memref_slice %arg31[%dma_start3A_299, %dma_start3A_300] : memref<2048x128xf32, #tpu.memory_space<vmem_shared>> -> memref<2048x128xf32, #tpu.memory_space<vmem_shared>>
      tpu.enqueue_indirect_dma source(%arg9 : memref<128x128xf32, #tpu.memory_space<vmem>>) target(%dma_start3A_301 : memref<2048x128xf32, #tpu.memory_space<vmem_shared>>) offsets(%dma_start3A_298 : memref<128xi32, #tpu.memory_space<vmem>>) semaphore(%arg28 : memref<!tpu.dma_semaphore, #tpu.memory_space<semaphore_mem>>) {add = true}
    } else {
    }
    %add3A_82 = arith.constant 800 : i32
    %add3A_83 = arith.addi %add3A, %add3A_82 : i32
    %lt3A_84 = arith.constant 781 : i32
    %lt3A_85 = arith.cmpi slt, %add3A_83, %lt3A_84 : i32
    %convert_element_type3A_86 = arith.extui %lt3A_85 : i1 to i32
    %cond3A_87 = arith.constant 0 : i32
    %cond3A_88 = arith.cmpi ne, %convert_element_type3A_86, %cond3A_87 : i32
    scf.if %cond3A_88 {
      %dma_wait3A = arith.constant 0 : i32
      %dma_wait3A_280 = arith.constant 0 : i32
      %dma_wait3A_281 = tpu.memref_slice %arg13[%dma_wait3A, %dma_wait3A_280] : memref<1x128xi32, #tpu.memory_space<vmem>> -> memref<1x128xi32, #tpu.memory_space<vmem>>
      %dma_wait3A_282 = tpu.memref_squeeze %dma_wait3A_281 : memref<1x128xi32, #tpu.memory_space<vmem>> -> memref<128xi32, #tpu.memory_space<vmem>>
      %dma_wait3A_283 = arith.constant 0 : i32
      %dma_wait3A_284 = arith.constant 0 : i32
      %dma_wait3A_285 = tpu.memref_slice %arg31[%dma_wait3A_283, %dma_wait3A_284] : memref<2048x128xf32, #tpu.memory_space<vmem_shared>> -> memref<2048x128xf32, #tpu.memory_space<vmem_shared>>
      tpu.wait_indirect_dma semaphore(%arg26 : memref<!tpu.dma_semaphore, #tpu.memory_space<semaphore_mem>>) src(%arg7 : memref<128x128xf32, #tpu.memory_space<vmem>>) dst(%dma_wait3A_285 : memref<2048x128xf32, #tpu.memory_space<vmem_shared>>)
      %mul3A_286 = arith.constant 128 : i32
      %mul3A_287 = arith.muli %add3A_83, %mul3A_286 : i32
      %dma_start3A = arith.constant 0 : i32
      %dma_start3A_288 = tpu.memref_slice %arg2[%mul3A_287, %dma_start3A] : memref<100000x128xf32, #tpu.memory_space<hbm>> -> memref<128x128xf32, #tpu.memory_space<hbm>>
      %dma_start3A_289 = arith.constant 0 : i32
      %dma_start3A_290 = tpu.memref_slice %arg2[%mul3A_287, %dma_start3A_289] : memref<100000x128xf32, #tpu.memory_space<hbm>> -> memref<128x128xf32, #tpu.memory_space<hbm>>
      tpu.enqueue_dma source(%dma_start3A_290 : memref<128x128xf32, #tpu.memory_space<hbm>>) target(%arg7 : memref<128x128xf32, #tpu.memory_space<vmem>>) target_semaphore(%arg20 : memref<!tpu.dma_semaphore, #tpu.memory_space<semaphore_mem>>)
      %mul3A_291 = arith.constant 128 : i32
      %mul3A_292 = arith.muli %add3A_83, %mul3A_291 : i32
      %dma_start3A_293 = arith.constant 0 : i32
      %dma_start3A_294 = arith.constant 0 : i32
      %dma_start3A_295 = tpu.memref_slice %arg13[%dma_start3A_293, %dma_start3A_294] : memref<1x128xi32, #tpu.memory_space<vmem>> -> memref<1x128xi32, #tpu.memory_space<vmem>>
      %dma_start3A_296 = tpu.memref_squeeze %dma_start3A_295 : memref<1x128xi32, #tpu.memory_space<vmem>> -> memref<128xi32, #tpu.memory_space<vmem>>
      %dma_start3A_297 = tpu.memref_slice %arg3[%mul3A_292] : memref<100000xi32, #tpu.memory_space<hbm>> -> memref<128xi32, #tpu.memory_space<hbm>>
      %dma_start3A_298 = arith.constant 0 : i32
      %dma_start3A_299 = tpu.memref_slice %arg13[%dma_start3A_293, %dma_start3A_298] : memref<1x128xi32, #tpu.memory_space<vmem>> -> memref<1x128xi32, #tpu.memory_space<vmem>>
      %dma_start3A_300 = tpu.memref_squeeze %dma_start3A_299 : memref<1x128xi32, #tpu.memory_space<vmem>> -> memref<128xi32, #tpu.memory_space<vmem>>
      %dma_start3A_301 = tpu.memref_slice %arg3[%mul3A_292] : memref<100000xi32, #tpu.memory_space<hbm>> -> memref<128xi32, #tpu.memory_space<hbm>>
      tpu.enqueue_dma source(%dma_start3A_301 : memref<128xi32, #tpu.memory_space<hbm>>) target(%dma_start3A_300 : memref<128xi32, #tpu.memory_space<vmem>>) target_semaphore(%arg20 : memref<!tpu.dma_semaphore, #tpu.memory_space<semaphore_mem>>)
    } else {
    }
    %add3A_89 = arith.constant 704 : i32
    %add3A_90 = arith.addi %add3A, %add3A_89 : i32
    %lt3A_91 = arith.constant 781 : i32
    %lt3A_92 = arith.cmpi slt, %add3A_90, %lt3A_91 : i32
    %convert_element_type3A_93 = arith.extui %lt3A_92 : i1 to i32
    %cond3A_94 = arith.constant 0 : i32
    %cond3A_95 = arith.cmpi ne, %convert_element_type3A_93, %cond3A_94 : i32
    scf.if %cond3A_95 {
      %mul3A_280 = arith.constant 128 : i32
      %mul3A_281 = arith.muli %add3A_90, %mul3A_280 : i32
      %dma_wait3A = arith.constant 0 : i32
      %dma_wait3A_282 = tpu.memref_slice %arg2[%mul3A_281, %dma_wait3A] : memref<100000x128xf32, #tpu.memory_space<hbm>> -> memref<128x128xf32, #tpu.memory_space<hbm>>
      %dma_wait3A_283 = arith.constant 0 : i32
      %dma_wait3A_284 = tpu.memref_slice %arg2[%mul3A_281, %dma_wait3A_283] : memref<100000x128xf32, #tpu.memory_space<hbm>> -> memref<128x128xf32, #tpu.memory_space<hbm>>
      tpu.wait_dma2 semaphore(%arg23 : memref<!tpu.dma_semaphore, #tpu.memory_space<semaphore_mem>>) src(%dma_wait3A_284 : memref<128x128xf32, #tpu.memory_space<hbm>>) dst(%arg10 : memref<128x128xf32, #tpu.memory_space<vmem>>)
      %mul3A_285 = arith.constant 128 : i32
      %mul3A_286 = arith.muli %add3A_90, %mul3A_285 : i32
      %dma_wait3A_287 = arith.constant 0 : i32
      %dma_wait3A_288 = arith.constant 0 : i32
      %dma_wait3A_289 = tpu.memref_slice %arg16[%dma_wait3A_287, %dma_wait3A_288] : memref<1x128xi32, #tpu.memory_space<vmem>> -> memref<1x128xi32, #tpu.memory_space<vmem>>
      %dma_wait3A_290 = tpu.memref_squeeze %dma_wait3A_289 : memref<1x128xi32, #tpu.memory_space<vmem>> -> memref<128xi32, #tpu.memory_space<vmem>>
      %dma_wait3A_291 = tpu.memref_slice %arg3[%mul3A_286] : memref<100000xi32, #tpu.memory_space<hbm>> -> memref<128xi32, #tpu.memory_space<hbm>>
      %dma_wait3A_292 = arith.constant 0 : i32
      %dma_wait3A_293 = tpu.memref_slice %arg16[%dma_wait3A_287, %dma_wait3A_292] : memref<1x128xi32, #tpu.memory_space<vmem>> -> memref<1x128xi32, #tpu.memory_space<vmem>>
      %dma_wait3A_294 = tpu.memref_squeeze %dma_wait3A_293 : memref<1x128xi32, #tpu.memory_space<vmem>> -> memref<128xi32, #tpu.memory_space<vmem>>
      %dma_wait3A_295 = tpu.memref_slice %arg3[%mul3A_286] : memref<100000xi32, #tpu.memory_space<hbm>> -> memref<128xi32, #tpu.memory_space<hbm>>
      tpu.wait_dma2 semaphore(%arg23 : memref<!tpu.dma_semaphore, #tpu.memory_space<semaphore_mem>>) src(%dma_wait3A_295 : memref<128xi32, #tpu.memory_space<hbm>>) dst(%dma_wait3A_294 : memref<128xi32, #tpu.memory_space<vmem>>)
      %dma_start3A = arith.constant 0 : i32
      %dma_start3A_296 = arith.constant 0 : i32
      %dma_start3A_297 = tpu.memref_slice %arg16[%dma_start3A, %dma_start3A_296] : memref<1x128xi32, #tpu.memory_space<vmem>> -> memref<1x128xi32, #tpu.memory_space<vmem>>
      %dma_start3A_298 = tpu.memref_squeeze %dma_start3A_297 : memref<1x128xi32, #tpu.memory_space<vmem>> -> memref<128xi32, #tpu.memory_space<vmem>>
      %dma_start3A_299 = arith.constant 0 : i32
      %dma_start3A_300 = arith.constant 0 : i32
      %dma_start3A_301 = tpu.memref_slice %arg31[%dma_start3A_299, %dma_start3A_300] : memref<2048x128xf32, #tpu.memory_space<vmem_shared>> -> memref<2048x128xf32, #tpu.memory_space<vmem_shared>>
      tpu.enqueue_indirect_dma source(%arg10 : memref<128x128xf32, #tpu.memory_space<vmem>>) target(%dma_start3A_301 : memref<2048x128xf32, #tpu.memory_space<vmem_shared>>) offsets(%dma_start3A_298 : memref<128xi32, #tpu.memory_space<vmem>>) semaphore(%arg29 : memref<!tpu.dma_semaphore, #tpu.memory_space<semaphore_mem>>) {add = true}
    } else {
    }
    %add3A_96 = arith.constant 832 : i32
    %add3A_97 = arith.addi %add3A, %add3A_96 : i32
    %lt3A_98 = arith.constant 781 : i32
    %lt3A_99 = arith.cmpi slt, %add3A_97, %lt3A_98 : i32
    %convert_element_type3A_100 = arith.extui %lt3A_99 : i1 to i32
    %cond3A_101 = arith.constant 0 : i32
    %cond3A_102 = arith.cmpi ne, %convert_element_type3A_100, %cond3A_101 : i32
    scf.if %cond3A_102 {
      %dma_wait3A = arith.constant 0 : i32
      %dma_wait3A_280 = arith.constant 0 : i32
      %dma_wait3A_281 = tpu.memref_slice %arg14[%dma_wait3A, %dma_wait3A_280] : memref<1x128xi32, #tpu.memory_space<vmem>> -> memref<1x128xi32, #tpu.memory_space<vmem>>
      %dma_wait3A_282 = tpu.memref_squeeze %dma_wait3A_281 : memref<1x128xi32, #tpu.memory_space<vmem>> -> memref<128xi32, #tpu.memory_space<vmem>>
      %dma_wait3A_283 = arith.constant 0 : i32
      %dma_wait3A_284 = arith.constant 0 : i32
      %dma_wait3A_285 = tpu.memref_slice %arg31[%dma_wait3A_283, %dma_wait3A_284] : memref<2048x128xf32, #tpu.memory_space<vmem_shared>> -> memref<2048x128xf32, #tpu.memory_space<vmem_shared>>
      tpu.wait_indirect_dma semaphore(%arg27 : memref<!tpu.dma_semaphore, #tpu.memory_space<semaphore_mem>>) src(%arg8 : memref<128x128xf32, #tpu.memory_space<vmem>>) dst(%dma_wait3A_285 : memref<2048x128xf32, #tpu.memory_space<vmem_shared>>)
      %mul3A_286 = arith.constant 128 : i32
      %mul3A_287 = arith.muli %add3A_97, %mul3A_286 : i32
      %dma_start3A = arith.constant 0 : i32
      %dma_start3A_288 = tpu.memref_slice %arg2[%mul3A_287, %dma_start3A] : memref<100000x128xf32, #tpu.memory_space<hbm>> -> memref<128x128xf32, #tpu.memory_space<hbm>>
      %dma_start3A_289 = arith.constant 0 : i32
      %dma_start3A_290 = tpu.memref_slice %arg2[%mul3A_287, %dma_start3A_289] : memref<100000x128xf32, #tpu.memory_space<hbm>> -> memref<128x128xf32, #tpu.memory_space<hbm>>
      tpu.enqueue_dma source(%dma_start3A_290 : memref<128x128xf32, #tpu.memory_space<hbm>>) target(%arg8 : memref<128x128xf32, #tpu.memory_space<vmem>>) target_semaphore(%arg21 : memref<!tpu.dma_semaphore, #tpu.memory_space<semaphore_mem>>)
      %mul3A_291 = arith.constant 128 : i32
      %mul3A_292 = arith.muli %add3A_97, %mul3A_291 : i32
      %dma_start3A_293 = arith.constant 0 : i32
      %dma_start3A_294 = arith.constant 0 : i32
      %dma_start3A_295 = tpu.memref_slice %arg14[%dma_start3A_293, %dma_start3A_294] : memref<1x128xi32, #tpu.memory_space<vmem>> -> memref<1x128xi32, #tpu.memory_space<vmem>>
      %dma_start3A_296 = tpu.memref_squeeze %dma_start3A_295 : memref<1x128xi32, #tpu.memory_space<vmem>> -> memref<128xi32, #tpu.memory_space<vmem>>
      %dma_start3A_297 = tpu.memref_slice %arg3[%mul3A_292] : memref<100000xi32, #tpu.memory_space<hbm>> -> memref<128xi32, #tpu.memory_space<hbm>>
      %dma_start3A_298 = arith.constant 0 : i32
      %dma_start3A_299 = tpu.memref_slice %arg14[%dma_start3A_293, %dma_start3A_298] : memref<1x128xi32, #tpu.memory_space<vmem>> -> memref<1x128xi32, #tpu.memory_space<vmem>>
      %dma_start3A_300 = tpu.memref_squeeze %dma_start3A_299 : memref<1x128xi32, #tpu.memory_space<vmem>> -> memref<128xi32, #tpu.memory_space<vmem>>
      %dma_start3A_301 = tpu.memref_slice %arg3[%mul3A_292] : memref<100000xi32, #tpu.memory_space<hbm>> -> memref<128xi32, #tpu.memory_space<hbm>>
      tpu.enqueue_dma source(%dma_start3A_301 : memref<128xi32, #tpu.memory_space<hbm>>) target(%dma_start3A_300 : memref<128xi32, #tpu.memory_space<vmem>>) target_semaphore(%arg21 : memref<!tpu.dma_semaphore, #tpu.memory_space<semaphore_mem>>)
    } else {
    }
    %add3A_103 = arith.constant 736 : i32
    %add3A_104 = arith.addi %add3A, %add3A_103 : i32
    %lt3A_105 = arith.constant 781 : i32
    %lt3A_106 = arith.cmpi slt, %add3A_104, %lt3A_105 : i32
    %convert_element_type3A_107 = arith.extui %lt3A_106 : i1 to i32
    %cond3A_108 = arith.constant 0 : i32
    %cond3A_109 = arith.cmpi ne, %convert_element_type3A_107, %cond3A_108 : i32
    scf.if %cond3A_109 {
      %mul3A_280 = arith.constant 128 : i32
      %mul3A_281 = arith.muli %add3A_104, %mul3A_280 : i32
      %dma_wait3A = arith.constant 0 : i32
      %dma_wait3A_282 = tpu.memref_slice %arg2[%mul3A_281, %dma_wait3A] : memref<100000x128xf32, #tpu.memory_space<hbm>> -> memref<128x128xf32, #tpu.memory_space<hbm>>
      %dma_wait3A_283 = arith.constant 0 : i32
      %dma_wait3A_284 = tpu.memref_slice %arg2[%mul3A_281, %dma_wait3A_283] : memref<100000x128xf32, #tpu.memory_space<hbm>> -> memref<128x128xf32, #tpu.memory_space<hbm>>
      tpu.wait_dma2 semaphore(%arg24 : memref<!tpu.dma_semaphore, #tpu.memory_space<semaphore_mem>>) src(%dma_wait3A_284 : memref<128x128xf32, #tpu.memory_space<hbm>>) dst(%arg11 : memref<128x128xf32, #tpu.memory_space<vmem>>)
      %mul3A_285 = arith.constant 128 : i32
      %mul3A_286 = arith.muli %add3A_104, %mul3A_285 : i32
      %dma_wait3A_287 = arith.constant 0 : i32
      %dma_wait3A_288 = arith.constant 0 : i32
      %dma_wait3A_289 = tpu.memref_slice %arg17[%dma_wait3A_287, %dma_wait3A_288] : memref<1x128xi32, #tpu.memory_space<vmem>> -> memref<1x128xi32, #tpu.memory_space<vmem>>
      %dma_wait3A_290 = tpu.memref_squeeze %dma_wait3A_289 : memref<1x128xi32, #tpu.memory_space<vmem>> -> memref<128xi32, #tpu.memory_space<vmem>>
      %dma_wait3A_291 = tpu.memref_slice %arg3[%mul3A_286] : memref<100000xi32, #tpu.memory_space<hbm>> -> memref<128xi32, #tpu.memory_space<hbm>>
      %dma_wait3A_292 = arith.constant 0 : i32
      %dma_wait3A_293 = tpu.memref_slice %arg17[%dma_wait3A_287, %dma_wait3A_292] : memref<1x128xi32, #tpu.memory_space<vmem>> -> memref<1x128xi32, #tpu.memory_space<vmem>>
      %dma_wait3A_294 = tpu.memref_squeeze %dma_wait3A_293 : memref<1x128xi32, #tpu.memory_space<vmem>> -> memref<128xi32, #tpu.memory_space<vmem>>
      %dma_wait3A_295 = tpu.memref_slice %arg3[%mul3A_286] : memref<100000xi32, #tpu.memory_space<hbm>> -> memref<128xi32, #tpu.memory_space<hbm>>
      tpu.wait_dma2 semaphore(%arg24 : memref<!tpu.dma_semaphore, #tpu.memory_space<semaphore_mem>>) src(%dma_wait3A_295 : memref<128xi32, #tpu.memory_space<hbm>>) dst(%dma_wait3A_294 : memref<128xi32, #tpu.memory_space<vmem>>)
      %dma_start3A = arith.constant 0 : i32
      %dma_start3A_296 = arith.constant 0 : i32
      %dma_start3A_297 = tpu.memref_slice %arg17[%dma_start3A, %dma_start3A_296] : memref<1x128xi32, #tpu.memory_space<vmem>> -> memref<1x128xi32, #tpu.memory_space<vmem>>
      %dma_start3A_298 = tpu.memref_squeeze %dma_start3A_297 : memref<1x128xi32, #tpu.memory_space<vmem>> -> memref<128xi32, #tpu.memory_space<vmem>>
      %dma_start3A_299 = arith.constant 0 : i32
      %dma_start3A_300 = arith.constant 0 : i32
      %dma_start3A_301 = tpu.memref_slice %arg31[%dma_start3A_299, %dma_start3A_300] : memref<2048x128xf32, #tpu.memory_space<vmem_shared>> -> memref<2048x128xf32, #tpu.memory_space<vmem_shared>>
      tpu.enqueue_indirect_dma source(%arg11 : memref<128x128xf32, #tpu.memory_space<vmem>>) target(%dma_start3A_301 : memref<2048x128xf32, #tpu.memory_space<vmem_shared>>) offsets(%dma_start3A_298 : memref<128xi32, #tpu.memory_space<vmem>>) semaphore(%arg30 : memref<!tpu.dma_semaphore, #tpu.memory_space<semaphore_mem>>) {add = true}
    } else {
    }
    %add3A_110 = arith.constant 864 : i32
    %add3A_111 = arith.addi %add3A, %add3A_110 : i32
    %lt3A_112 = arith.constant 781 : i32
    %lt3A_113 = arith.cmpi slt, %add3A_111, %lt3A_112 : i32
    %convert_element_type3A_114 = arith.extui %lt3A_113 : i1 to i32
    %cond3A_115 = arith.constant 0 : i32
    %cond3A_116 = arith.cmpi ne, %convert_element_type3A_114, %cond3A_115 : i32
    scf.if %cond3A_116 {
      %dma_wait3A = arith.constant 0 : i32
      %dma_wait3A_280 = arith.constant 0 : i32
      %dma_wait3A_281 = tpu.memref_slice %arg15[%dma_wait3A, %dma_wait3A_280] : memref<1x128xi32, #tpu.memory_space<vmem>> -> memref<1x128xi32, #tpu.memory_space<vmem>>
      %dma_wait3A_282 = tpu.memref_squeeze %dma_wait3A_281 : memref<1x128xi32, #tpu.memory_space<vmem>> -> memref<128xi32, #tpu.memory_space<vmem>>
      %dma_wait3A_283 = arith.constant 0 : i32
      %dma_wait3A_284 = arith.constant 0 : i32
      %dma_wait3A_285 = tpu.memref_slice %arg31[%dma_wait3A_283, %dma_wait3A_284] : memref<2048x128xf32, #tpu.memory_space<vmem_shared>> -> memref<2048x128xf32, #tpu.memory_space<vmem_shared>>
      tpu.wait_indirect_dma semaphore(%arg28 : memref<!tpu.dma_semaphore, #tpu.memory_space<semaphore_mem>>) src(%arg9 : memref<128x128xf32, #tpu.memory_space<vmem>>) dst(%dma_wait3A_285 : memref<2048x128xf32, #tpu.memory_space<vmem_shared>>)
      %mul3A_286 = arith.constant 128 : i32
      %mul3A_287 = arith.muli %add3A_111, %mul3A_286 : i32
      %dma_start3A = arith.constant 0 : i32
      %dma_start3A_288 = tpu.memref_slice %arg2[%mul3A_287, %dma_start3A] : memref<100000x128xf32, #tpu.memory_space<hbm>> -> memref<128x128xf32, #tpu.memory_space<hbm>>
      %dma_start3A_289 = arith.constant 0 : i32
      %dma_start3A_290 = tpu.memref_slice %arg2[%mul3A_287, %dma_start3A_289] : memref<100000x128xf32, #tpu.memory_space<hbm>> -> memref<128x128xf32, #tpu.memory_space<hbm>>
      tpu.enqueue_dma source(%dma_start3A_290 : memref<128x128xf32, #tpu.memory_space<hbm>>) target(%arg9 : memref<128x128xf32, #tpu.memory_space<vmem>>) target_semaphore(%arg22 : memref<!tpu.dma_semaphore, #tpu.memory_space<semaphore_mem>>)
      %mul3A_291 = arith.constant 128 : i32
      %mul3A_292 = arith.muli %add3A_111, %mul3A_291 : i32
      %dma_start3A_293 = arith.constant 0 : i32
      %dma_start3A_294 = arith.constant 0 : i32
      %dma_start3A_295 = tpu.memref_slice %arg15[%dma_start3A_293, %dma_start3A_294] : memref<1x128xi32, #tpu.memory_space<vmem>> -> memref<1x128xi32, #tpu.memory_space<vmem>>
      %dma_start3A_296 = tpu.memref_squeeze %dma_start3A_295 : memref<1x128xi32, #tpu.memory_space<vmem>> -> memref<128xi32, #tpu.memory_space<vmem>>
      %dma_start3A_297 = tpu.memref_slice %arg3[%mul3A_292] : memref<100000xi32, #tpu.memory_space<hbm>> -> memref<128xi32, #tpu.memory_space<hbm>>
      %dma_start3A_298 = arith.constant 0 : i32
      %dma_start3A_299 = tpu.memref_slice %arg15[%dma_start3A_293, %dma_start3A_298] : memref<1x128xi32, #tpu.memory_space<vmem>> -> memref<1x128xi32, #tpu.memory_space<vmem>>
      %dma_start3A_300 = tpu.memref_squeeze %dma_start3A_299 : memref<1x128xi32, #tpu.memory_space<vmem>> -> memref<128xi32, #tpu.memory_space<vmem>>
      %dma_start3A_301 = tpu.memref_slice %arg3[%mul3A_292] : memref<100000xi32, #tpu.memory_space<hbm>> -> memref<128xi32, #tpu.memory_space<hbm>>
      tpu.enqueue_dma source(%dma_start3A_301 : memref<128xi32, #tpu.memory_space<hbm>>) target(%dma_start3A_300 : memref<128xi32, #tpu.memory_space<vmem>>) target_semaphore(%arg22 : memref<!tpu.dma_semaphore, #tpu.memory_space<semaphore_mem>>)
    } else {
    }
    %add3A_117 = arith.constant 768 : i32
    %add3A_118 = arith.addi %add3A, %add3A_117 : i32
    %lt3A_119 = arith.constant 781 : i32
    %lt3A_120 = arith.cmpi slt, %add3A_118, %lt3A_119 : i32
    %convert_element_type3A_121 = arith.extui %lt3A_120 : i1 to i32
    %cond3A_122 = arith.constant 0 : i32
    %cond3A_123 = arith.cmpi ne, %convert_element_type3A_121, %cond3A_122 : i32
    scf.if %cond3A_123 {
      %mul3A_280 = arith.constant 128 : i32
      %mul3A_281 = arith.muli %add3A_118, %mul3A_280 : i32
      %dma_wait3A = arith.constant 0 : i32
      %dma_wait3A_282 = tpu.memref_slice %arg2[%mul3A_281, %dma_wait3A] : memref<100000x128xf32, #tpu.memory_space<hbm>> -> memref<128x128xf32, #tpu.memory_space<hbm>>
      %dma_wait3A_283 = arith.constant 0 : i32
      %dma_wait3A_284 = tpu.memref_slice %arg2[%mul3A_281, %dma_wait3A_283] : memref<100000x128xf32, #tpu.memory_space<hbm>> -> memref<128x128xf32, #tpu.memory_space<hbm>>
      tpu.wait_dma2 semaphore(%arg19 : memref<!tpu.dma_semaphore, #tpu.memory_space<semaphore_mem>>) src(%dma_wait3A_284 : memref<128x128xf32, #tpu.memory_space<hbm>>) dst(%arg6 : memref<128x128xf32, #tpu.memory_space<vmem>>)
      %mul3A_285 = arith.constant 128 : i32
      %mul3A_286 = arith.muli %add3A_118, %mul3A_285 : i32
      %dma_wait3A_287 = arith.constant 0 : i32
      %dma_wait3A_288 = arith.constant 0 : i32
      %dma_wait3A_289 = tpu.memref_slice %arg12[%dma_wait3A_287, %dma_wait3A_288] : memref<1x128xi32, #tpu.memory_space<vmem>> -> memref<1x128xi32, #tpu.memory_space<vmem>>
      %dma_wait3A_290 = tpu.memref_squeeze %dma_wait3A_289 : memref<1x128xi32, #tpu.memory_space<vmem>> -> memref<128xi32, #tpu.memory_space<vmem>>
      %dma_wait3A_291 = tpu.memref_slice %arg3[%mul3A_286] : memref<100000xi32, #tpu.memory_space<hbm>> -> memref<128xi32, #tpu.memory_space<hbm>>
      %dma_wait3A_292 = arith.constant 0 : i32
      %dma_wait3A_293 = tpu.memref_slice %arg12[%dma_wait3A_287, %dma_wait3A_292] : memref<1x128xi32, #tpu.memory_space<vmem>> -> memref<1x128xi32, #tpu.memory_space<vmem>>
      %dma_wait3A_294 = tpu.memref_squeeze %dma_wait3A_293 : memref<1x128xi32, #tpu.memory_space<vmem>> -> memref<128xi32, #tpu.memory_space<vmem>>
      %dma_wait3A_295 = tpu.memref_slice %arg3[%mul3A_286] : memref<100000xi32, #tpu.memory_space<hbm>> -> memref<128xi32, #tpu.memory_space<hbm>>
      tpu.wait_dma2 semaphore(%arg19 : memref<!tpu.dma_semaphore, #tpu.memory_space<semaphore_mem>>) src(%dma_wait3A_295 : memref<128xi32, #tpu.memory_space<hbm>>) dst(%dma_wait3A_294 : memref<128xi32, #tpu.memory_space<vmem>>)
      %dma_start3A = arith.constant 0 : i32
      %dma_start3A_296 = arith.constant 0 : i32
      %dma_start3A_297 = tpu.memref_slice %arg12[%dma_start3A, %dma_start3A_296] : memref<1x128xi32, #tpu.memory_space<vmem>> -> memref<1x128xi32, #tpu.memory_space<vmem>>
      %dma_start3A_298 = tpu.memref_squeeze %dma_start3A_297 : memref<1x128xi32, #tpu.memory_space<vmem>> -> memref<128xi32, #tpu.memory_space<vmem>>
      %dma_start3A_299 = arith.constant 0 : i32
      %dma_start3A_300 = arith.constant 0 : i32
      %dma_start3A_301 = tpu.memref_slice %arg31[%dma_start3A_299, %dma_start3A_300] : memref<2048x128xf32, #tpu.memory_space<vmem_shared>> -> memref<2048x128xf32, #tpu.memory_space<vmem_shared>>
      tpu.enqueue_indirect_dma source(%arg6 : memref<128x128xf32, #tpu.memory_space<vmem>>) target(%dma_start3A_301 : memref<2048x128xf32, #tpu.memory_space<vmem_shared>>) offsets(%dma_start3A_298 : memref<128xi32, #tpu.memory_space<vmem>>) semaphore(%arg25 : memref<!tpu.dma_semaphore, #tpu.memory_space<semaphore_mem>>) {add = true}
    } else {
    }
    %add3A_124 = arith.constant 896 : i32
    %add3A_125 = arith.addi %add3A, %add3A_124 : i32
    %lt3A_126 = arith.constant 781 : i32
    %lt3A_127 = arith.cmpi slt, %add3A_125, %lt3A_126 : i32
    %convert_element_type3A_128 = arith.extui %lt3A_127 : i1 to i32
    %cond3A_129 = arith.constant 0 : i32
    %cond3A_130 = arith.cmpi ne, %convert_element_type3A_128, %cond3A_129 : i32
    scf.if %cond3A_130 {
      %dma_wait3A = arith.constant 0 : i32
      %dma_wait3A_280 = arith.constant 0 : i32
      %dma_wait3A_281 = tpu.memref_slice %arg16[%dma_wait3A, %dma_wait3A_280] : memref<1x128xi32, #tpu.memory_space<vmem>> -> memref<1x128xi32, #tpu.memory_space<vmem>>
      %dma_wait3A_282 = tpu.memref_squeeze %dma_wait3A_281 : memref<1x128xi32, #tpu.memory_space<vmem>> -> memref<128xi32, #tpu.memory_space<vmem>>
      %dma_wait3A_283 = arith.constant 0 : i32
      %dma_wait3A_284 = arith.constant 0 : i32
      %dma_wait3A_285 = tpu.memref_slice %arg31[%dma_wait3A_283, %dma_wait3A_284] : memref<2048x128xf32, #tpu.memory_space<vmem_shared>> -> memref<2048x128xf32, #tpu.memory_space<vmem_shared>>
      tpu.wait_indirect_dma semaphore(%arg29 : memref<!tpu.dma_semaphore, #tpu.memory_space<semaphore_mem>>) src(%arg10 : memref<128x128xf32, #tpu.memory_space<vmem>>) dst(%dma_wait3A_285 : memref<2048x128xf32, #tpu.memory_space<vmem_shared>>)
      %mul3A_286 = arith.constant 128 : i32
      %mul3A_287 = arith.muli %add3A_125, %mul3A_286 : i32
      %dma_start3A = arith.constant 0 : i32
      %dma_start3A_288 = tpu.memref_slice %arg2[%mul3A_287, %dma_start3A] : memref<100000x128xf32, #tpu.memory_space<hbm>> -> memref<128x128xf32, #tpu.memory_space<hbm>>
      %dma_start3A_289 = arith.constant 0 : i32
      %dma_start3A_290 = tpu.memref_slice %arg2[%mul3A_287, %dma_start3A_289] : memref<100000x128xf32, #tpu.memory_space<hbm>> -> memref<128x128xf32, #tpu.memory_space<hbm>>
      tpu.enqueue_dma source(%dma_start3A_290 : memref<128x128xf32, #tpu.memory_space<hbm>>) target(%arg10 : memref<128x128xf32, #tpu.memory_space<vmem>>) target_semaphore(%arg23 : memref<!tpu.dma_semaphore, #tpu.memory_space<semaphore_mem>>)
      %mul3A_291 = arith.constant 128 : i32
      %mul3A_292 = arith.muli %add3A_125, %mul3A_291 : i32
      %dma_start3A_293 = arith.constant 0 : i32
      %dma_start3A_294 = arith.constant 0 : i32
      %dma_start3A_295 = tpu.memref_slice %arg16[%dma_start3A_293, %dma_start3A_294] : memref<1x128xi32, #tpu.memory_space<vmem>> -> memref<1x128xi32, #tpu.memory_space<vmem>>
      %dma_start3A_296 = tpu.memref_squeeze %dma_start3A_295 : memref<1x128xi32, #tpu.memory_space<vmem>> -> memref<128xi32, #tpu.memory_space<vmem>>
      %dma_start3A_297 = tpu.memref_slice %arg3[%mul3A_292] : memref<100000xi32, #tpu.memory_space<hbm>> -> memref<128xi32, #tpu.memory_space<hbm>>
      %dma_start3A_298 = arith.constant 0 : i32
      %dma_start3A_299 = tpu.memref_slice %arg16[%dma_start3A_293, %dma_start3A_298] : memref<1x128xi32, #tpu.memory_space<vmem>> -> memref<1x128xi32, #tpu.memory_space<vmem>>
      %dma_start3A_300 = tpu.memref_squeeze %dma_start3A_299 : memref<1x128xi32, #tpu.memory_space<vmem>> -> memref<128xi32, #tpu.memory_space<vmem>>
      %dma_start3A_301 = tpu.memref_slice %arg3[%mul3A_292] : memref<100000xi32, #tpu.memory_space<hbm>> -> memref<128xi32, #tpu.memory_space<hbm>>
      tpu.enqueue_dma source(%dma_start3A_301 : memref<128xi32, #tpu.memory_space<hbm>>) target(%dma_start3A_300 : memref<128xi32, #tpu.memory_space<vmem>>) target_semaphore(%arg23 : memref<!tpu.dma_semaphore, #tpu.memory_space<semaphore_mem>>)
    } else {
    }
    %add3A_131 = arith.constant 416 : i32
    %add3A_132 = arith.addi %add3A, %add3A_131 : i32
    %lt3A_133 = arith.constant 781 : i32
    %lt3A_134 = arith.cmpi slt, %add3A_132, %lt3A_133 : i32
    %add3A_135 = arith.constant 192 : i32
    %add3A_136 = arith.addi %add3A_132, %add3A_135 : i32
    %ge3A = arith.constant 781 : i32
    %ge3A_137 = arith.cmpi sge, %add3A_136, %ge3A : i32
    %and3A = arith.andi %lt3A_134, %ge3A_137 : i1
    %convert_element_type3A_138 = arith.extui %and3A : i1 to i32
    %cond3A_139 = arith.constant 0 : i32
    %cond3A_140 = arith.cmpi ne, %convert_element_type3A_138, %cond3A_139 : i32
    scf.if %cond3A_140 {
      %dma_wait3A = arith.constant 0 : i32
      %dma_wait3A_280 = arith.constant 0 : i32
      %dma_wait3A_281 = tpu.memref_slice %arg13[%dma_wait3A, %dma_wait3A_280] : memref<1x128xi32, #tpu.memory_space<vmem>> -> memref<1x128xi32, #tpu.memory_space<vmem>>
      %dma_wait3A_282 = tpu.memref_squeeze %dma_wait3A_281 : memref<1x128xi32, #tpu.memory_space<vmem>> -> memref<128xi32, #tpu.memory_space<vmem>>
      %dma_wait3A_283 = arith.constant 0 : i32
      %dma_wait3A_284 = arith.constant 0 : i32
      %dma_wait3A_285 = tpu.memref_slice %arg31[%dma_wait3A_283, %dma_wait3A_284] : memref<2048x128xf32, #tpu.memory_space<vmem_shared>> -> memref<2048x128xf32, #tpu.memory_space<vmem_shared>>
      tpu.wait_indirect_dma semaphore(%arg26 : memref<!tpu.dma_semaphore, #tpu.memory_space<semaphore_mem>>) src(%arg7 : memref<128x128xf32, #tpu.memory_space<vmem>>) dst(%dma_wait3A_285 : memref<2048x128xf32, #tpu.memory_space<vmem_shared>>)
    } else {
    }
    %add3A_141 = arith.constant 448 : i32
    %add3A_142 = arith.addi %add3A, %add3A_141 : i32
    %lt3A_143 = arith.constant 781 : i32
    %lt3A_144 = arith.cmpi slt, %add3A_142, %lt3A_143 : i32
    %add3A_145 = arith.constant 192 : i32
    %add3A_146 = arith.addi %add3A_142, %add3A_145 : i32
    %ge3A_147 = arith.constant 781 : i32
    %ge3A_148 = arith.cmpi sge, %add3A_146, %ge3A_147 : i32
    %and3A_149 = arith.andi %lt3A_144, %ge3A_148 : i1
    %convert_element_type3A_150 = arith.extui %and3A_149 : i1 to i32
    %cond3A_151 = arith.constant 0 : i32
    %cond3A_152 = arith.cmpi ne, %convert_element_type3A_150, %cond3A_151 : i32
    scf.if %cond3A_152 {
      %dma_wait3A = arith.constant 0 : i32
      %dma_wait3A_280 = arith.constant 0 : i32
      %dma_wait3A_281 = tpu.memref_slice %arg14[%dma_wait3A, %dma_wait3A_280] : memref<1x128xi32, #tpu.memory_space<vmem>> -> memref<1x128xi32, #tpu.memory_space<vmem>>
      %dma_wait3A_282 = tpu.memref_squeeze %dma_wait3A_281 : memref<1x128xi32, #tpu.memory_space<vmem>> -> memref<128xi32, #tpu.memory_space<vmem>>
      %dma_wait3A_283 = arith.constant 0 : i32
      %dma_wait3A_284 = arith.constant 0 : i32
      %dma_wait3A_285 = tpu.memref_slice %arg31[%dma_wait3A_283, %dma_wait3A_284] : memref<2048x128xf32, #tpu.memory_space<vmem_shared>> -> memref<2048x128xf32, #tpu.memory_space<vmem_shared>>
      tpu.wait_indirect_dma semaphore(%arg27 : memref<!tpu.dma_semaphore, #tpu.memory_space<semaphore_mem>>) src(%arg8 : memref<128x128xf32, #tpu.memory_space<vmem>>) dst(%dma_wait3A_285 : memref<2048x128xf32, #tpu.memory_space<vmem_shared>>)
    } else {
    }
    %add3A_153 = arith.constant 480 : i32
    %add3A_154 = arith.addi %add3A, %add3A_153 : i32
    %lt3A_155 = arith.constant 781 : i32
    %lt3A_156 = arith.cmpi slt, %add3A_154, %lt3A_155 : i32
    %add3A_157 = arith.constant 192 : i32
    %add3A_158 = arith.addi %add3A_154, %add3A_157 : i32
    %ge3A_159 = arith.constant 781 : i32
    %ge3A_160 = arith.cmpi sge, %add3A_158, %ge3A_159 : i32
    %and3A_161 = arith.andi %lt3A_156, %ge3A_160 : i1
    %convert_element_type3A_162 = arith.extui %and3A_161 : i1 to i32
    %cond3A_163 = arith.constant 0 : i32
    %cond3A_164 = arith.cmpi ne, %convert_element_type3A_162, %cond3A_163 : i32
    scf.if %cond3A_164 {
      %dma_wait3A = arith.constant 0 : i32
      %dma_wait3A_280 = arith.constant 0 : i32
      %dma_wait3A_281 = tpu.memref_slice %arg15[%dma_wait3A, %dma_wait3A_280] : memref<1x128xi32, #tpu.memory_space<vmem>> -> memref<1x128xi32, #tpu.memory_space<vmem>>
      %dma_wait3A_282 = tpu.memref_squeeze %dma_wait3A_281 : memref<1x128xi32, #tpu.memory_space<vmem>> -> memref<128xi32, #tpu.memory_space<vmem>>
      %dma_wait3A_283 = arith.constant 0 : i32
      %dma_wait3A_284 = arith.constant 0 : i32
      %dma_wait3A_285 = tpu.memref_slice %arg31[%dma_wait3A_283, %dma_wait3A_284] : memref<2048x128xf32, #tpu.memory_space<vmem_shared>> -> memref<2048x128xf32, #tpu.memory_space<vmem_shared>>
      tpu.wait_indirect_dma semaphore(%arg28 : memref<!tpu.dma_semaphore, #tpu.memory_space<semaphore_mem>>) src(%arg9 : memref<128x128xf32, #tpu.memory_space<vmem>>) dst(%dma_wait3A_285 : memref<2048x128xf32, #tpu.memory_space<vmem_shared>>)
    } else {
    }
    %add3A_165 = arith.constant 512 : i32
    %add3A_166 = arith.addi %add3A, %add3A_165 : i32
    %lt3A_167 = arith.constant 781 : i32
    %lt3A_168 = arith.cmpi slt, %add3A_166, %lt3A_167 : i32
    %add3A_169 = arith.constant 192 : i32
    %add3A_170 = arith.addi %add3A_166, %add3A_169 : i32
    %ge3A_171 = arith.constant 781 : i32
    %ge3A_172 = arith.cmpi sge, %add3A_170, %ge3A_171 : i32
    %and3A_173 = arith.andi %lt3A_168, %ge3A_172 : i1
    %convert_element_type3A_174 = arith.extui %and3A_173 : i1 to i32
    %cond3A_175 = arith.constant 0 : i32
    %cond3A_176 = arith.cmpi ne, %convert_element_type3A_174, %cond3A_175 : i32
    scf.if %cond3A_176 {
      %dma_wait3A = arith.constant 0 : i32
      %dma_wait3A_280 = arith.constant 0 : i32
      %dma_wait3A_281 = tpu.memref_slice %arg16[%dma_wait3A, %dma_wait3A_280] : memref<1x128xi32, #tpu.memory_space<vmem>> -> memref<1x128xi32, #tpu.memory_space<vmem>>
      %dma_wait3A_282 = tpu.memref_squeeze %dma_wait3A_281 : memref<1x128xi32, #tpu.memory_space<vmem>> -> memref<128xi32, #tpu.memory_space<vmem>>
      %dma_wait3A_283 = arith.constant 0 : i32
      %dma_wait3A_284 = arith.constant 0 : i32
      %dma_wait3A_285 = tpu.memref_slice %arg31[%dma_wait3A_283, %dma_wait3A_284] : memref<2048x128xf32, #tpu.memory_space<vmem_shared>> -> memref<2048x128xf32, #tpu.memory_space<vmem_shared>>
      tpu.wait_indirect_dma semaphore(%arg29 : memref<!tpu.dma_semaphore, #tpu.memory_space<semaphore_mem>>) src(%arg10 : memref<128x128xf32, #tpu.memory_space<vmem>>) dst(%dma_wait3A_285 : memref<2048x128xf32, #tpu.memory_space<vmem_shared>>)
    } else {
    }
    %add3A_177 = arith.constant 544 : i32
    %add3A_178 = arith.addi %add3A, %add3A_177 : i32
    %lt3A_179 = arith.constant 781 : i32
    %lt3A_180 = arith.cmpi slt, %add3A_178, %lt3A_179 : i32
    %add3A_181 = arith.constant 192 : i32
    %add3A_182 = arith.addi %add3A_178, %add3A_181 : i32
    %ge3A_183 = arith.constant 781 : i32
    %ge3A_184 = arith.cmpi sge, %add3A_182, %ge3A_183 : i32
    %and3A_185 = arith.andi %lt3A_180, %ge3A_184 : i1
    %convert_element_type3A_186 = arith.extui %and3A_185 : i1 to i32
    %cond3A_187 = arith.constant 0 : i32
    %cond3A_188 = arith.cmpi ne, %convert_element_type3A_186, %cond3A_187 : i32
    scf.if %cond3A_188 {
      %dma_wait3A = arith.constant 0 : i32
      %dma_wait3A_280 = arith.constant 0 : i32
      %dma_wait3A_281 = tpu.memref_slice %arg17[%dma_wait3A, %dma_wait3A_280] : memref<1x128xi32, #tpu.memory_space<vmem>> -> memref<1x128xi32, #tpu.memory_space<vmem>>
      %dma_wait3A_282 = tpu.memref_squeeze %dma_wait3A_281 : memref<1x128xi32, #tpu.memory_space<vmem>> -> memref<128xi32, #tpu.memory_space<vmem>>
      %dma_wait3A_283 = arith.constant 0 : i32
      %dma_wait3A_284 = arith.constant 0 : i32
      %dma_wait3A_285 = tpu.memref_slice %arg31[%dma_wait3A_283, %dma_wait3A_284] : memref<2048x128xf32, #tpu.memory_space<vmem_shared>> -> memref<2048x128xf32, #tpu.memory_space<vmem_shared>>
      tpu.wait_indirect_dma semaphore(%arg30 : memref<!tpu.dma_semaphore, #tpu.memory_space<semaphore_mem>>) src(%arg11 : memref<128x128xf32, #tpu.memory_space<vmem>>) dst(%dma_wait3A_285 : memref<2048x128xf32, #tpu.memory_space<vmem_shared>>)
    } else {
    }
    %add3A_189 = arith.constant 576 : i32
    %add3A_190 = arith.addi %add3A, %add3A_189 : i32
    %lt3A_191 = arith.constant 781 : i32
    %lt3A_192 = arith.cmpi slt, %add3A_190, %lt3A_191 : i32
    %add3A_193 = arith.constant 192 : i32
    %add3A_194 = arith.addi %add3A_190, %add3A_193 : i32
    %ge3A_195 = arith.constant 781 : i32
    %ge3A_196 = arith.cmpi sge, %add3A_194, %ge3A_195 : i32
    %and3A_197 = arith.andi %lt3A_192, %ge3A_196 : i1
    %convert_element_type3A_198 = arith.extui %and3A_197 : i1 to i32
    %cond3A_199 = arith.constant 0 : i32
    %cond3A_200 = arith.cmpi ne, %convert_element_type3A_198, %cond3A_199 : i32
    scf.if %cond3A_200 {
      %dma_wait3A = arith.constant 0 : i32
      %dma_wait3A_280 = arith.constant 0 : i32
      %dma_wait3A_281 = tpu.memref_slice %arg12[%dma_wait3A, %dma_wait3A_280] : memref<1x128xi32, #tpu.memory_space<vmem>> -> memref<1x128xi32, #tpu.memory_space<vmem>>
      %dma_wait3A_282 = tpu.memref_squeeze %dma_wait3A_281 : memref<1x128xi32, #tpu.memory_space<vmem>> -> memref<128xi32, #tpu.memory_space<vmem>>
      %dma_wait3A_283 = arith.constant 0 : i32
      %dma_wait3A_284 = arith.constant 0 : i32
      %dma_wait3A_285 = tpu.memref_slice %arg31[%dma_wait3A_283, %dma_wait3A_284] : memref<2048x128xf32, #tpu.memory_space<vmem_shared>> -> memref<2048x128xf32, #tpu.memory_space<vmem_shared>>
      tpu.wait_indirect_dma semaphore(%arg25 : memref<!tpu.dma_semaphore, #tpu.memory_space<semaphore_mem>>) src(%arg6 : memref<128x128xf32, #tpu.memory_space<vmem>>) dst(%dma_wait3A_285 : memref<2048x128xf32, #tpu.memory_space<vmem_shared>>)
    } else {
    }
    %add3A_201 = arith.constant 608 : i32
    %add3A_202 = arith.addi %add3A, %add3A_201 : i32
    %lt3A_203 = arith.constant 781 : i32
    %lt3A_204 = arith.cmpi slt, %add3A_202, %lt3A_203 : i32
    %add3A_205 = arith.constant 192 : i32
    %add3A_206 = arith.addi %add3A_202, %add3A_205 : i32
    %ge3A_207 = arith.constant 781 : i32
    %ge3A_208 = arith.cmpi sge, %add3A_206, %ge3A_207 : i32
    %and3A_209 = arith.andi %lt3A_204, %ge3A_208 : i1
    %convert_element_type3A_210 = arith.extui %and3A_209 : i1 to i32
    %cond3A_211 = arith.constant 0 : i32
    %cond3A_212 = arith.cmpi ne, %convert_element_type3A_210, %cond3A_211 : i32
    scf.if %cond3A_212 {
      %dma_wait3A = arith.constant 0 : i32
      %dma_wait3A_280 = arith.constant 0 : i32
      %dma_wait3A_281 = tpu.memref_slice %arg13[%dma_wait3A, %dma_wait3A_280] : memref<1x128xi32, #tpu.memory_space<vmem>> -> memref<1x128xi32, #tpu.memory_space<vmem>>
      %dma_wait3A_282 = tpu.memref_squeeze %dma_wait3A_281 : memref<1x128xi32, #tpu.memory_space<vmem>> -> memref<128xi32, #tpu.memory_space<vmem>>
      %dma_wait3A_283 = arith.constant 0 : i32
      %dma_wait3A_284 = arith.constant 0 : i32
      %dma_wait3A_285 = tpu.memref_slice %arg31[%dma_wait3A_283, %dma_wait3A_284] : memref<2048x128xf32, #tpu.memory_space<vmem_shared>> -> memref<2048x128xf32, #tpu.memory_space<vmem_shared>>
      tpu.wait_indirect_dma semaphore(%arg26 : memref<!tpu.dma_semaphore, #tpu.memory_space<semaphore_mem>>) src(%arg7 : memref<128x128xf32, #tpu.memory_space<vmem>>) dst(%dma_wait3A_285 : memref<2048x128xf32, #tpu.memory_space<vmem_shared>>)
    } else {
    }
    %add3A_213 = arith.constant 640 : i32
    %add3A_214 = arith.addi %add3A, %add3A_213 : i32
    %lt3A_215 = arith.constant 781 : i32
    %lt3A_216 = arith.cmpi slt, %add3A_214, %lt3A_215 : i32
    %add3A_217 = arith.constant 192 : i32
    %add3A_218 = arith.addi %add3A_214, %add3A_217 : i32
    %ge3A_219 = arith.constant 781 : i32
    %ge3A_220 = arith.cmpi sge, %add3A_218, %ge3A_219 : i32
    %and3A_221 = arith.andi %lt3A_216, %ge3A_220 : i1
    %convert_element_type3A_222 = arith.extui %and3A_221 : i1 to i32
    %cond3A_223 = arith.constant 0 : i32
    %cond3A_224 = arith.cmpi ne, %convert_element_type3A_222, %cond3A_223 : i32
    scf.if %cond3A_224 {
      %dma_wait3A = arith.constant 0 : i32
      %dma_wait3A_280 = arith.constant 0 : i32
      %dma_wait3A_281 = tpu.memref_slice %arg14[%dma_wait3A, %dma_wait3A_280] : memref<1x128xi32, #tpu.memory_space<vmem>> -> memref<1x128xi32, #tpu.memory_space<vmem>>
      %dma_wait3A_282 = tpu.memref_squeeze %dma_wait3A_281 : memref<1x128xi32, #tpu.memory_space<vmem>> -> memref<128xi32, #tpu.memory_space<vmem>>
      %dma_wait3A_283 = arith.constant 0 : i32
      %dma_wait3A_284 = arith.constant 0 : i32
      %dma_wait3A_285 = tpu.memref_slice %arg31[%dma_wait3A_283, %dma_wait3A_284] : memref<2048x128xf32, #tpu.memory_space<vmem_shared>> -> memref<2048x128xf32, #tpu.memory_space<vmem_shared>>
      tpu.wait_indirect_dma semaphore(%arg27 : memref<!tpu.dma_semaphore, #tpu.memory_space<semaphore_mem>>) src(%arg8 : memref<128x128xf32, #tpu.memory_space<vmem>>) dst(%dma_wait3A_285 : memref<2048x128xf32, #tpu.memory_space<vmem_shared>>)
    } else {
    }
    %add3A_225 = arith.constant 672 : i32
    %add3A_226 = arith.addi %add3A, %add3A_225 : i32
    %lt3A_227 = arith.constant 781 : i32
    %lt3A_228 = arith.cmpi slt, %add3A_226, %lt3A_227 : i32
    %add3A_229 = arith.constant 192 : i32
    %add3A_230 = arith.addi %add3A_226, %add3A_229 : i32
    %ge3A_231 = arith.constant 781 : i32
    %ge3A_232 = arith.cmpi sge, %add3A_230, %ge3A_231 : i32
    %and3A_233 = arith.andi %lt3A_228, %ge3A_232 : i1
    %convert_element_type3A_234 = arith.extui %and3A_233 : i1 to i32
    %cond3A_235 = arith.constant 0 : i32
    %cond3A_236 = arith.cmpi ne, %convert_element_type3A_234, %cond3A_235 : i32
    scf.if %cond3A_236 {
      %dma_wait3A = arith.constant 0 : i32
      %dma_wait3A_280 = arith.constant 0 : i32
      %dma_wait3A_281 = tpu.memref_slice %arg15[%dma_wait3A, %dma_wait3A_280] : memref<1x128xi32, #tpu.memory_space<vmem>> -> memref<1x128xi32, #tpu.memory_space<vmem>>
      %dma_wait3A_282 = tpu.memref_squeeze %dma_wait3A_281 : memref<1x128xi32, #tpu.memory_space<vmem>> -> memref<128xi32, #tpu.memory_space<vmem>>
      %dma_wait3A_283 = arith.constant 0 : i32
      %dma_wait3A_284 = arith.constant 0 : i32
      %dma_wait3A_285 = tpu.memref_slice %arg31[%dma_wait3A_283, %dma_wait3A_284] : memref<2048x128xf32, #tpu.memory_space<vmem_shared>> -> memref<2048x128xf32, #tpu.memory_space<vmem_shared>>
      tpu.wait_indirect_dma semaphore(%arg28 : memref<!tpu.dma_semaphore, #tpu.memory_space<semaphore_mem>>) src(%arg9 : memref<128x128xf32, #tpu.memory_space<vmem>>) dst(%dma_wait3A_285 : memref<2048x128xf32, #tpu.memory_space<vmem_shared>>)
    } else {
    }
    %add3A_237 = arith.constant 704 : i32
    %add3A_238 = arith.addi %add3A, %add3A_237 : i32
    %lt3A_239 = arith.constant 781 : i32
    %lt3A_240 = arith.cmpi slt, %add3A_238, %lt3A_239 : i32
    %add3A_241 = arith.constant 192 : i32
    %add3A_242 = arith.addi %add3A_238, %add3A_241 : i32
    %ge3A_243 = arith.constant 781 : i32
    %ge3A_244 = arith.cmpi sge, %add3A_242, %ge3A_243 : i32
    %and3A_245 = arith.andi %lt3A_240, %ge3A_244 : i1
    %convert_element_type3A_246 = arith.extui %and3A_245 : i1 to i32
    %cond3A_247 = arith.constant 0 : i32
    %cond3A_248 = arith.cmpi ne, %convert_element_type3A_246, %cond3A_247 : i32
    scf.if %cond3A_248 {
      %dma_wait3A = arith.constant 0 : i32
      %dma_wait3A_280 = arith.constant 0 : i32
      %dma_wait3A_281 = tpu.memref_slice %arg16[%dma_wait3A, %dma_wait3A_280] : memref<1x128xi32, #tpu.memory_space<vmem>> -> memref<1x128xi32, #tpu.memory_space<vmem>>
      %dma_wait3A_282 = tpu.memref_squeeze %dma_wait3A_281 : memref<1x128xi32, #tpu.memory_space<vmem>> -> memref<128xi32, #tpu.memory_space<vmem>>
      %dma_wait3A_283 = arith.constant 0 : i32
      %dma_wait3A_284 = arith.constant 0 : i32
      %dma_wait3A_285 = tpu.memref_slice %arg31[%dma_wait3A_283, %dma_wait3A_284] : memref<2048x128xf32, #tpu.memory_space<vmem_shared>> -> memref<2048x128xf32, #tpu.memory_space<vmem_shared>>
      tpu.wait_indirect_dma semaphore(%arg29 : memref<!tpu.dma_semaphore, #tpu.memory_space<semaphore_mem>>) src(%arg10 : memref<128x128xf32, #tpu.memory_space<vmem>>) dst(%dma_wait3A_285 : memref<2048x128xf32, #tpu.memory_space<vmem_shared>>)
    } else {
    }
    %add3A_249 = arith.constant 736 : i32
    %add3A_250 = arith.addi %add3A, %add3A_249 : i32
    %lt3A_251 = arith.constant 781 : i32
    %lt3A_252 = arith.cmpi slt, %add3A_250, %lt3A_251 : i32
    %add3A_253 = arith.constant 192 : i32
    %add3A_254 = arith.addi %add3A_250, %add3A_253 : i32
    %ge3A_255 = arith.constant 781 : i32
    %ge3A_256 = arith.cmpi sge, %add3A_254, %ge3A_255 : i32
    %and3A_257 = arith.andi %lt3A_252, %ge3A_256 : i1
    %convert_element_type3A_258 = arith.extui %and3A_257 : i1 to i32
    %cond3A_259 = arith.constant 0 : i32
    %cond3A_260 = arith.cmpi ne, %convert_element_type3A_258, %cond3A_259 : i32
    scf.if %cond3A_260 {
      %dma_wait3A = arith.constant 0 : i32
      %dma_wait3A_280 = arith.constant 0 : i32
      %dma_wait3A_281 = tpu.memref_slice %arg17[%dma_wait3A, %dma_wait3A_280] : memref<1x128xi32, #tpu.memory_space<vmem>> -> memref<1x128xi32, #tpu.memory_space<vmem>>
      %dma_wait3A_282 = tpu.memref_squeeze %dma_wait3A_281 : memref<1x128xi32, #tpu.memory_space<vmem>> -> memref<128xi32, #tpu.memory_space<vmem>>
      %dma_wait3A_283 = arith.constant 0 : i32
      %dma_wait3A_284 = arith.constant 0 : i32
      %dma_wait3A_285 = tpu.memref_slice %arg31[%dma_wait3A_283, %dma_wait3A_284] : memref<2048x128xf32, #tpu.memory_space<vmem_shared>> -> memref<2048x128xf32, #tpu.memory_space<vmem_shared>>
      tpu.wait_indirect_dma semaphore(%arg30 : memref<!tpu.dma_semaphore, #tpu.memory_space<semaphore_mem>>) src(%arg11 : memref<128x128xf32, #tpu.memory_space<vmem>>) dst(%dma_wait3A_285 : memref<2048x128xf32, #tpu.memory_space<vmem_shared>>)
    } else {
    }
    %add3A_261 = arith.constant 768 : i32
    %add3A_262 = arith.addi %add3A, %add3A_261 : i32
    %lt3A_263 = arith.constant 781 : i32
    %lt3A_264 = arith.cmpi slt, %add3A_262, %lt3A_263 : i32
    %add3A_265 = arith.constant 192 : i32
    %add3A_266 = arith.addi %add3A_262, %add3A_265 : i32
    %ge3A_267 = arith.constant 781 : i32
    %ge3A_268 = arith.cmpi sge, %add3A_266, %ge3A_267 : i32
    %and3A_269 = arith.andi %lt3A_264, %ge3A_268 : i1
    %convert_element_type3A_270 = arith.extui %and3A_269 : i1 to i32
    %cond3A_271 = arith.constant 0 : i32
    %cond3A_272 = arith.cmpi ne, %convert_element_type3A_270, %cond3A_271 : i32
    scf.if %cond3A_272 {
      %dma_wait3A = arith.constant 0 : i32
      %dma_wait3A_280 = arith.constant 0 : i32
      %dma_wait3A_281 = tpu.memref_slice %arg12[%dma_wait3A, %dma_wait3A_280] : memref<1x128xi32, #tpu.memory_space<vmem>> -> memref<1x128xi32, #tpu.memory_space<vmem>>
      %dma_wait3A_282 = tpu.memref_squeeze %dma_wait3A_281 : memref<1x128xi32, #tpu.memory_space<vmem>> -> memref<128xi32, #tpu.memory_space<vmem>>
      %dma_wait3A_283 = arith.constant 0 : i32
      %dma_wait3A_284 = arith.constant 0 : i32
      %dma_wait3A_285 = tpu.memref_slice %arg31[%dma_wait3A_283, %dma_wait3A_284] : memref<2048x128xf32, #tpu.memory_space<vmem_shared>> -> memref<2048x128xf32, #tpu.memory_space<vmem_shared>>
      tpu.wait_indirect_dma semaphore(%arg25 : memref<!tpu.dma_semaphore, #tpu.memory_space<semaphore_mem>>) src(%arg6 : memref<128x128xf32, #tpu.memory_space<vmem>>) dst(%dma_wait3A_285 : memref<2048x128xf32, #tpu.memory_space<vmem_shared>>)
    } else {
    }
    %eq3A = arith.constant 1 : i32
    %eq3A_273 = arith.cmpi eq, %add3A, %eq3A : i32
    %convert_element_type3A_274 = arith.extui %eq3A_273 : i1 to i32
    %cond3A_275 = arith.constant 0 : i32
    %cond3A_276 = arith.cmpi ne, %convert_element_type3A_274, %cond3A_275 : i32
    scf.if %cond3A_276 {
      "tpu.region"() ({
        %run_scoped3A = tpu.sem_alloc : memref<!tpu.dma_semaphore, #tpu.memory_space<semaphore_mem>>
        %dma_start3A = arith.constant 0 : i32
        %dma_start3A_280 = arith.constant 0 : i32
        %dma_start3A_281 = tpu.memref_slice %arg6[%dma_start3A, %dma_start3A_280] : memref<128x128xf32, #tpu.memory_space<vmem>> -> memref<32x128xf32, #tpu.memory_space<vmem>>
        %dma_start3A_282 = arith.constant 99968 : i32
        %dma_start3A_283 = arith.constant 0 : i32
        %dma_start3A_284 = tpu.memref_slice %arg2[%dma_start3A_282, %dma_start3A_283] : memref<100000x128xf32, #tpu.memory_space<hbm>> -> memref<32x128xf32, #tpu.memory_space<hbm>>
        %dma_start3A_285 = arith.constant 0 : i32
        %dma_start3A_286 = arith.constant 0 : i32
        %dma_start3A_287 = tpu.memref_slice %arg6[%dma_start3A_285, %dma_start3A_286] : memref<128x128xf32, #tpu.memory_space<vmem>> -> memref<32x128xf32, #tpu.memory_space<vmem>>
        %dma_start3A_288 = arith.constant 99968 : i32
        %dma_start3A_289 = arith.constant 0 : i32
        %dma_start3A_290 = tpu.memref_slice %arg2[%dma_start3A_288, %dma_start3A_289] : memref<100000x128xf32, #tpu.memory_space<hbm>> -> memref<32x128xf32, #tpu.memory_space<hbm>>
        tpu.enqueue_dma source(%dma_start3A_290 : memref<32x128xf32, #tpu.memory_space<hbm>>) target(%dma_start3A_287 : memref<32x128xf32, #tpu.memory_space<vmem>>) target_semaphore(%run_scoped3A : memref<!tpu.dma_semaphore, #tpu.memory_space<semaphore_mem>>)
        %dma_wait3A = arith.constant 0 : i32
        %dma_wait3A_291 = arith.constant 0 : i32
        %dma_wait3A_292 = tpu.memref_slice %arg6[%dma_wait3A, %dma_wait3A_291] : memref<128x128xf32, #tpu.memory_space<vmem>> -> memref<32x128xf32, #tpu.memory_space<vmem>>
        %dma_wait3A_293 = arith.constant 99968 : i32
        %dma_wait3A_294 = arith.constant 0 : i32
        %dma_wait3A_295 = tpu.memref_slice %arg2[%dma_wait3A_293, %dma_wait3A_294] : memref<100000x128xf32, #tpu.memory_space<hbm>> -> memref<32x128xf32, #tpu.memory_space<hbm>>
        %dma_wait3A_296 = arith.constant 0 : i32
        %dma_wait3A_297 = arith.constant 0 : i32
        %dma_wait3A_298 = tpu.memref_slice %arg6[%dma_wait3A_296, %dma_wait3A_297] : memref<128x128xf32, #tpu.memory_space<vmem>> -> memref<32x128xf32, #tpu.memory_space<vmem>>
        %dma_wait3A_299 = arith.constant 99968 : i32
        %dma_wait3A_300 = arith.constant 0 : i32
        %dma_wait3A_301 = tpu.memref_slice %arg2[%dma_wait3A_299, %dma_wait3A_300] : memref<100000x128xf32, #tpu.memory_space<hbm>> -> memref<32x128xf32, #tpu.memory_space<hbm>>
        tpu.wait_dma2 semaphore(%run_scoped3A : memref<!tpu.dma_semaphore, #tpu.memory_space<semaphore_mem>>) src(%dma_wait3A_301 : memref<32x128xf32, #tpu.memory_space<hbm>>) dst(%dma_wait3A_298 : memref<32x128xf32, #tpu.memory_space<vmem>>)
        tpu.yield
      }) : () -> ()
      "tpu.region"() ({
        %run_scoped3A = tpu.sem_alloc : memref<!tpu.dma_semaphore, #tpu.memory_space<semaphore_mem>>
        %dma_start3A = arith.constant 99968 : i32
        %dma_start3A_280 = tpu.memref_slice %arg3[%dma_start3A] : memref<100000xi32, #tpu.memory_space<hbm>> -> memref<32xi32, #tpu.memory_space<hbm>>
        %dma_start3A_281 = arith.constant 99968 : i32
        %dma_start3A_282 = tpu.memref_slice %arg3[%dma_start3A_281] : memref<100000xi32, #tpu.memory_space<hbm>> -> memref<32xi32, #tpu.memory_space<hbm>>
        tpu.enqueue_dma source(%dma_start3A_282 : memref<32xi32, #tpu.memory_space<hbm>>) target(%arg18 : memref<32xi32, #tpu.memory_space<vmem>>) target_semaphore(%run_scoped3A : memref<!tpu.dma_semaphore, #tpu.memory_space<semaphore_mem>>)
        %dma_wait3A = arith.constant 99968 : i32
        %dma_wait3A_283 = tpu.memref_slice %arg3[%dma_wait3A] : memref<100000xi32, #tpu.memory_space<hbm>> -> memref<32xi32, #tpu.memory_space<hbm>>
        %dma_wait3A_284 = arith.constant 99968 : i32
        %dma_wait3A_285 = tpu.memref_slice %arg3[%dma_wait3A_284] : memref<100000xi32, #tpu.memory_space<hbm>> -> memref<32xi32, #tpu.memory_space<hbm>>
        tpu.wait_dma2 semaphore(%run_scoped3A : memref<!tpu.dma_semaphore, #tpu.memory_space<semaphore_mem>>) src(%dma_wait3A_285 : memref<32xi32, #tpu.memory_space<hbm>>) dst(%arg18 : memref<32xi32, #tpu.memory_space<vmem>>)
        tpu.yield
      }) : () -> ()
      "tpu.region"() ({
        %run_scoped3A = tpu.sem_alloc : memref<!tpu.dma_semaphore, #tpu.memory_space<semaphore_mem>>
        %dma_start3A = arith.constant 0 : i32
        %dma_start3A_280 = arith.constant 0 : i32
        %dma_start3A_281 = tpu.memref_slice %arg6[%dma_start3A, %dma_start3A_280] : memref<128x128xf32, #tpu.memory_space<vmem>> -> memref<32x128xf32, #tpu.memory_space<vmem>>
        %dma_start3A_282 = arith.constant 0 : i32
        %dma_start3A_283 = arith.constant 0 : i32
        %dma_start3A_284 = tpu.memref_slice %arg31[%dma_start3A_282, %dma_start3A_283] : memref<2048x128xf32, #tpu.memory_space<vmem_shared>> -> memref<2048x128xf32, #tpu.memory_space<vmem_shared>>
        tpu.enqueue_indirect_dma source(%dma_start3A_281 : memref<32x128xf32, #tpu.memory_space<vmem>>) target(%dma_start3A_284 : memref<2048x128xf32, #tpu.memory_space<vmem_shared>>) offsets(%arg18 : memref<32xi32, #tpu.memory_space<vmem>>) semaphore(%run_scoped3A : memref<!tpu.dma_semaphore, #tpu.memory_space<semaphore_mem>>) {add = true}
        %dma_wait3A = arith.constant 0 : i32
        %dma_wait3A_285 = arith.constant 0 : i32
        %dma_wait3A_286 = tpu.memref_slice %arg6[%dma_wait3A, %dma_wait3A_285] : memref<128x128xf32, #tpu.memory_space<vmem>> -> memref<32x128xf32, #tpu.memory_space<vmem>>
        %dma_wait3A_287 = arith.constant 0 : i32
        %dma_wait3A_288 = arith.constant 0 : i32
        %dma_wait3A_289 = tpu.memref_slice %arg31[%dma_wait3A_287, %dma_wait3A_288] : memref<2048x128xf32, #tpu.memory_space<vmem_shared>> -> memref<2048x128xf32, #tpu.memory_space<vmem_shared>>
        tpu.wait_indirect_dma semaphore(%run_scoped3A : memref<!tpu.dma_semaphore, #tpu.memory_space<semaphore_mem>>) src(%dma_wait3A_286 : memref<32x128xf32, #tpu.memory_space<vmem>>) dst(%dma_wait3A_289 : memref<2048x128xf32, #tpu.memory_space<vmem_shared>>)
        tpu.yield
      }) : () -> ()
    } else {
    }
    %barrier3A_277 = arith.constant 0 : index
    tpu.barrier barrier_id(%barrier3A_277)
    %mul3A_278 = arith.constant 128 : i32
    %mul3A_279 = arith.muli %arg1, %mul3A_278 : i32
    "tpu.region"() ({
      %run_scoped3A = tpu.sem_alloc : memref<!tpu.dma_semaphore, #tpu.memory_space<semaphore_mem>>
      %dma_start3A = arith.constant 0 : i32
      %dma_start3A_280 = tpu.memref_slice %arg5[%arg0, %mul3A_279, %dma_start3A] : memref<2x2048x128xf32, #tpu.memory_space<hbm>> -> memref<1x128x128xf32, #tpu.memory_space<hbm>>
      %dma_start3A_281 = tpu.memref_squeeze %dma_start3A_280 : memref<1x128x128xf32, #tpu.memory_space<hbm>> -> memref<128x128xf32, #tpu.memory_space<hbm>>
      %dma_start3A_282 = arith.constant 0 : i32
      %dma_start3A_283 = tpu.memref_slice %arg31[%mul3A_279, %dma_start3A_282] : memref<2048x128xf32, #tpu.memory_space<vmem_shared>> -> memref<128x128xf32, #tpu.memory_space<vmem_shared>>
      tpu.enqueue_dma source(%dma_start3A_283 : memref<128x128xf32, #tpu.memory_space<vmem_shared>>) target(%dma_start3A_281 : memref<128x128xf32, #tpu.memory_space<hbm>>) target_semaphore(%run_scoped3A : memref<!tpu.dma_semaphore, #tpu.memory_space<semaphore_mem>>)
      %dma_wait3A = arith.constant 0 : i32
      %dma_wait3A_284 = tpu.memref_slice %arg5[%arg0, %mul3A_279, %dma_wait3A] : memref<2x2048x128xf32, #tpu.memory_space<hbm>> -> memref<1x128x128xf32, #tpu.memory_space<hbm>>
      %dma_wait3A_285 = tpu.memref_squeeze %dma_wait3A_284 : memref<1x128x128xf32, #tpu.memory_space<hbm>> -> memref<128x128xf32, #tpu.memory_space<hbm>>
      %dma_wait3A_286 = arith.constant 0 : i32
      %dma_wait3A_287 = tpu.memref_slice %arg31[%mul3A_279, %dma_wait3A_286] : memref<2048x128xf32, #tpu.memory_space<vmem_shared>> -> memref<128x128xf32, #tpu.memory_space<vmem_shared>>
      tpu.wait_dma2 semaphore(%run_scoped3A : memref<!tpu.dma_semaphore, #tpu.memory_space<semaphore_mem>>) src(%dma_wait3A_287 : memref<128x128xf32, #tpu.memory_space<vmem_shared>>) dst(%dma_wait3A_285 : memref<128x128xf32, #tpu.memory_space<hbm>>)
      tpu.yield
    }) : () -> ()
    return
  }
}

module attributes {stable_mosaic.version = 14 : i64} {
  func.func @_mlp_tc(%arg0: memref<2x2048x128xf32, #tpu.memory_space<vmem>>, %arg1: memref<2048x1xf32, #tpu.memory_space<vmem>>, %arg2: memref<2048x1xf32, #tpu.memory_space<vmem>>, %arg3: memref<128x64xf32, #tpu.memory_space<vmem>>, %arg4: memref<1x64xf32, #tpu.memory_space<vmem>>, %arg5: memref<1x64xf32, #tpu.memory_space<vmem>>, %arg6: memref<1x64xf32, #tpu.memory_space<vmem>>, %arg7: memref<64x2xf32, #tpu.memory_space<vmem>>, %arg8: memref<1x2xf32, #tpu.memory_space<vmem>>, %arg9: memref<2048x2xf32, #tpu.memory_space<vmem>>) attributes {dimension_semantics = [], scalar_prefetch = 0 : i64, scratch_operands = 0 : i64, tpu.core_type = #tpu.core_type<tc>} {
    %get3A = arith.constant 0 : index
    %get3A_0 = arith.constant 0 : index
    %get3A_1 = arith.constant 0 : index
    %get3A_2 = vector.load %arg0[%get3A, %get3A_0, %get3A_1] : memref<2x2048x128xf32, #tpu.memory_space<vmem>>, vector<1x2048x128xf32>
    %get3A_3 = vector.shape_cast %get3A_2 : vector<1x2048x128xf32> to vector<2048x128xf32>
    %get3A_4 = arith.constant 1 : index
    %get3A_5 = arith.constant 0 : index
    %get3A_6 = arith.constant 0 : index
    %get3A_7 = vector.load %arg0[%get3A_4, %get3A_5, %get3A_6] : memref<2x2048x128xf32, #tpu.memory_space<vmem>>, vector<1x2048x128xf32>
    %get3A_8 = vector.shape_cast %get3A_7 : vector<1x2048x128xf32> to vector<2048x128xf32>
    %add3A = arith.addf %get3A_3, %get3A_8 : vector<2048x128xf32>
    %get3A_9 = arith.constant 0 : index
    %get3A_10 = arith.constant 0 : index
    %get3A_11 = vector.load %arg3[%get3A_9, %get3A_10] : memref<128x64xf32, #tpu.memory_space<vmem>>, vector<128x64xf32>
    %dot_general3A = arith.constant dense<0.000000e+00> : vector<2048x64xf32>
    %dot_general3A_12 = tpu.matmul %add3A, %get3A_11, %dot_general3A {dimension_numbers = #tpu.dot_dimension_numbers<[1], [0], [0], [1], [0, 0, 1, 1], [], []>, transpose_lhs_hint = false} : vector<2048x128xf32>, vector<128x64xf32>, vector<2048x64xf32> -> vector<2048x64xf32>
    %get3A_13 = arith.constant 0 : index
    %get3A_14 = arith.constant 0 : index
    %get3A_15 = vector.load %arg1[%get3A_13, %get3A_14] : memref<2048x1xf32, #tpu.memory_space<vmem>>, vector<2048x1xf32>
    %get3A_16 = arith.constant 0 : index
    %get3A_17 = arith.constant 0 : index
    %get3A_18 = vector.load %arg4[%get3A_16, %get3A_17] : memref<1x64xf32, #tpu.memory_space<vmem>>, vector<1x64xf32>
    %mul3A = vector.broadcast %get3A_15 : vector<2048x1xf32> to vector<2048x64xf32>
    %mul3A_19 = vector.broadcast %get3A_18 : vector<1x64xf32> to vector<2048x64xf32>
    %mul3A_20 = arith.mulf %mul3A, %mul3A_19 : vector<2048x64xf32>
    %add3A_21 = arith.addf %dot_general3A_12, %mul3A_20 : vector<2048x64xf32>
    %get3A_22 = arith.constant 0 : index
    %get3A_23 = arith.constant 0 : index
    %get3A_24 = vector.load %arg2[%get3A_22, %get3A_23] : memref<2048x1xf32, #tpu.memory_space<vmem>>, vector<2048x1xf32>
    %get3A_25 = arith.constant 0 : index
    %get3A_26 = arith.constant 0 : index
    %get3A_27 = vector.load %arg5[%get3A_25, %get3A_26] : memref<1x64xf32, #tpu.memory_space<vmem>>, vector<1x64xf32>
    %mul3A_28 = vector.broadcast %get3A_24 : vector<2048x1xf32> to vector<2048x64xf32>
    %mul3A_29 = vector.broadcast %get3A_27 : vector<1x64xf32> to vector<2048x64xf32>
    %mul3A_30 = arith.mulf %mul3A_28, %mul3A_29 : vector<2048x64xf32>
    %add3A_31 = arith.addf %add3A_21, %mul3A_30 : vector<2048x64xf32>
    %get3A_32 = arith.constant 0 : index
    %get3A_33 = arith.constant 0 : index
    %get3A_34 = vector.load %arg6[%get3A_32, %get3A_33] : memref<1x64xf32, #tpu.memory_space<vmem>>, vector<1x64xf32>
    %add3A_35 = vector.broadcast %get3A_34 : vector<1x64xf32> to vector<2048x64xf32>
    %add3A_36 = arith.addf %add3A_31, %add3A_35 : vector<2048x64xf32>
    %ge3A = arith.constant 0.000000e+00 : f32
    %ge3A_37 = vector.broadcast %ge3A : f32 to vector<2048x64xf32>
    %ge3A_38 = arith.cmpf oge, %add3A_36, %ge3A_37 : vector<2048x64xf32>
    %mul3A_39 = arith.constant 0.00999999977 : f32
    %mul3A_40 = vector.broadcast %mul3A_39 : f32 to vector<2048x64xf32>
    %mul3A_41 = arith.mulf %mul3A_40, %add3A_36 : vector<2048x64xf32>
    %select_n3A = arith.select %ge3A_38, %add3A_36, %mul3A_41 : vector<2048x64xi1>, vector<2048x64xf32>
    %get3A_42 = arith.constant 0 : index
    %get3A_43 = arith.constant 0 : index
    %get3A_44 = vector.load %arg7[%get3A_42, %get3A_43] : memref<64x2xf32, #tpu.memory_space<vmem>>, vector<64x2xf32>
    %dot_general3A_45 = arith.constant dense<0.000000e+00> : vector<2048x2xf32>
    %dot_general3A_46 = tpu.matmul %select_n3A, %get3A_44, %dot_general3A_45 {dimension_numbers = #tpu.dot_dimension_numbers<[1], [0], [0], [1], [0, 0, 1, 1], [], []>, transpose_lhs_hint = false} : vector<2048x64xf32>, vector<64x2xf32>, vector<2048x2xf32> -> vector<2048x2xf32>
    %get3A_47 = arith.constant 0 : index
    %get3A_48 = arith.constant 0 : index
    %get3A_49 = vector.load %arg8[%get3A_47, %get3A_48] : memref<1x2xf32, #tpu.memory_space<vmem>>, vector<1x2xf32>
    %add3A_50 = vector.broadcast %get3A_49 : vector<1x2xf32> to vector<2048x2xf32>
    %add3A_51 = arith.addf %dot_general3A_46, %add3A_50 : vector<2048x2xf32>
    %swap3A = arith.constant 0 : index
    %swap3A_52 = arith.constant 0 : index
    %swap3A_53 = vector.load %arg9[%swap3A, %swap3A_52] : memref<2048x2xf32, #tpu.memory_space<vmem>>, vector<2048x2xf32>
    tpu.vector_store %arg9[%swap3A, %swap3A_52], %add3A_51 {strides = array<i32>} : memref<2048x2xf32, #tpu.memory_space<vmem>>, vector<2048x2xf32>,
    return
  }
}

</mosaic_0001>

<sc_bundles>
// kernel: kernel.4.cloned.1.call-start
scs
__scs_entry_jumppad:
0x0: {  	(pc) =	sbr.rel $0x88, $3  }
0x1: {  	(tag) =	ssettag $0x0;
	lr =	simm.s32 $0x1  }
0x2: {  	[smem:$0x3F99] =	sst lr;
	_ =	strace $0xD0000000  }
0x3: {  	_ = 	snop  }
0x4: {  	_ = 	snop  }
0x5: {  	_ = 	snop  }
0x6: {  	_ = 	snop  }
0x7: {  	_ = 	snop  }
__scs_overlays_trampoline_lowered:
0x8: {  	[smem:$0x3FA8] =	sst s0  }
0x9: {  	[smem:$0x3FA9] =	sst s1  }
0xa: {  	[smem:$0x3FAA] =	sst s2  }
0xb: {  	[smem:$0x3FAB] =	sst s3  }
0xc: {  	[smem:$0x3FAC] =	sst s4  }
0xd: {  	[smem:$0x3FAD] =	sst s5  }
0xe: {  	[smem:$0x3FAE] =	sst s6  }
0xf: {  	[smem:$0x3FAF] =	sst s7  }
0x10: {  	[smem:$0x3FB0] =	sst s8  }
0x11: {  	[smem:$0x3FB1] =	sst s9;
	s0 =	simm.s32 @!p0 $0x0  }
0x12: {  	s1 =	sld [smem:$0x3F97];
	s0 =	simm.s32 @p0 $0x1  }
0x13: {  	[smem:$0x3FB2] =	sst s0;
	s0 =	simm.s32 @!p1 $0x0  }
0x14: {  	s2 =	sld [smem:$0x3F96];
	s0 =	simm.s32 @p1 $0x1  }
0x15: {  	[smem:$0x3FB3] =	sst s0;
	s0 =	simm.s32 @!p2 $0x0  }
0x16: {  	s3 =	sld [smem:$0x3FDB];
	s0 =	simm.s32 @p2 $0x1  }
0x17: {  	s4 =	simm.s32 $0x1BF5;
	[smem:$0x3FB5] =	sst s0  }
0x18: {  	s0 =	sld [smem:$0x3F98];
	_ =	swait.ge [sflag:s4], $0x0  }
0x19: {  	s7 =	sld [smem:$0x3F99]  }
0x1a: {  	s8 =	sadd.s32 $0xFFFFE003, lr  }
0x1b: {  	s9 =	sadd.s32 $0xFFFFFEF7, lr;
	s5 =	simm.s32 $0xFFFFFFFF;
	p2 =	slt.u32 s8, $0xFFFFF086  }
0x1c: {  	p1 =	slt.u32 s9, $0xF7A;
	s5 =	simm.s32 @!p2 $0x0  }
0x1d: {  	s5 =	simm.s32 @p1 $0x1;
	p0 =	seq.s32 s7, s2  }
0x1e: {  	s7 =	smul.u32 @!p0 $0xF7A, s2;
	p2 =	seq.s32 @!p0 s5, $0x0  }
0x1f: {  	s9 =	smul.u32 $0xF7A, s1;
	s8 =	simm.s32 @!p0 $0x1BF5;
	p2 =	por !p2, p0  }
0x20: {  	[sflag:s8] =	ssyncset.s32 @!p0 $0xFFFFF086;
	s6 =	sadd.s32 @!p0 s3, s7;
	s7 =	simm.s32 @!p0 $0x108  }
0x21: {  	s3 =	sadd.s32 s3, s9;
	s6 =	sadd.s32 @!p0 $0x88, s6;
	s7 =	simm.s32 @p2 $0x1082  }
0x22: {  	[simem:s7], [sflag:s8] =	dma.local @!p0 [hbm:s6], $0xF7A  }
0x23: {  	s9 =	sor.u32 $0xD0000000, s2;
	s6 =	simm.s32 $0x108;
	_ =	swait.ge @!p0 [sflag:s8], $0x0  }
0x24: {  	s3 =	sadd.s32 $0x88, s3;
	s6 =	simm.s32 @!p1 $0x1082;
	[sflag:s4] =	ssyncset.s32 $0xFFFFF086  }
0x25: {  	[simem:s6], [sflag:s4] =	dma.local [hbm:s3], $0xF7A  }
0x26: {  	[smem:$0x3F99] =	sst s1;
	(tag) =	ssettag s2;
	_ =	strace s9  }
0x27: {  	s1 =	sld [smem:$0x3FA9]  }
0x28: {  	s2 =	sld [smem:$0x3FAA]  }
0x29: {  	s4 =	sld [smem:$0x3FAC]  }
0x2a: {  	p0 =	seq.s32 s5, $0x0;
	s5 =	sld [smem:$0x3FAD]  }
0x2b: {  	s6 =	sld [smem:$0x3FAE]  }
0x2c: {  	s7 =	sld [smem:$0x3FAF]  }
0x2d: {  	s3 =	simm.s32 $0x108;
	s8 =	sld [smem:$0x3FB0]  }
0x2e: {  	s3 =	simm.s32 @!p0 $0x1082;
	s9 =	sld [smem:$0x3FB1]  }
0x2f: {  	lr =	sadd.s32 s0, s3;
	s0 =	sld [smem:$0x3FA8]  }
0x30: {  	s3 =	sld [smem:$0x3FAB]  }
0x31: {  	[smem:$0x3FB4] =	sst s10  }
0x32: {  	s10 =	sld [smem:$0x3FB2];
	_ =	sdelay $0x3  }
0x33: {  	p0 =	seq.s32 s10, $0x1;
	s10 =	sld [smem:$0x3FB4];
	_ =	sdelay $0x3  }
0x34: {  	[smem:$0x3FB4] =	sst s10  }
0x35: {  	s10 =	sld [smem:$0x3FB3];
	_ =	sdelay $0x3  }
0x36: {  	p1 =	seq.s32 s10, $0x1;
	s10 =	sld [smem:$0x3FB4];
	_ =	sdelay $0x3  }
0x37: {  	[smem:$0x3FB4] =	sst s10  }
0x38: {  	s10 =	sld [smem:$0x3FB5]  }
0x39: {  	_ = 	snop;
	(pc) =	sbr.ind lr, $3  }
0x3a: {  	_ = 	snop  }
0x3b: {  	_ = 	snop  }
0x3c: {  	p2 =	seq.s32 s10, $0x1;
	s10 =	sld [smem:$0x3FB4]  }
0x3d: {  	_ =	shalt  }
0x3e: {  	_ =	shalt  }
0x3f: {  	_ =	shalt  }
0x40: {  	_ =	shalt  }
0x41: {  	_ =	shalt  }
0x42: {  	_ =	shalt  }
0x43: {  	_ =	shalt  }
0x44: {  	_ =	shalt  }
0x45: {  	_ =	shalt  }
0x46: {  	_ =	shalt  }
0x47: {  	_ =	shalt  }
0x48: {  	_ =	shalt  }
0x49: {  	_ =	shalt  }
0x4a: {  	_ =	shalt  }
0x4b: {  	_ =	shalt  }
0x4c: {  	_ =	shalt  }
0x4d: {  	_ =	shalt  }
0x4e: {  	_ =	shalt  }
0x4f: {  	_ =	shalt  }
0x50: {  	_ =	shalt  }
0x51: {  	_ =	shalt  }
0x52: {  	_ =	shalt  }
0x53: {  	_ =	shalt  }
0x54: {  	_ =	shalt  }
0x55: {  	_ =	shalt  }
0x56: {  	_ =	shalt  }
0x57: {  	_ =	shalt  }
0x58: {  	_ =	shalt  }
0x59: {  	_ =	shalt  }
0x5a: {  	_ =	shalt  }
0x5b: {  	_ =	shalt  }
0x5c: {  	_ =	shalt  }
0x5d: {  	_ =	shalt  }
0x5e: {  	_ =	shalt  }
0x5f: {  	_ =	shalt  }
0x60: {  	_ =	shalt  }
0x61: {  	_ =	shalt  }
0x62: {  	_ =	shalt  }
0x63: {  	_ =	shalt  }
0x64: {  	_ =	shalt  }
0x65: {  	_ =	shalt  }
0x66: {  	_ =	shalt  }
0x67: {  	_ =	shalt  }
0x68: {  	_ =	shalt  }
0x69: {  	_ =	shalt  }
0x6a: {  	_ =	shalt  }
0x6b: {  	_ =	shalt  }
0x6c: {  	_ =	shalt  }
0x6d: {  	_ =	shalt  }
0x6e: {  	_ =	shalt  }
0x6f: {  	_ =	shalt  }
0x70: {  	_ =	shalt  }
0x71: {  	_ =	shalt  }
0x72: {  	_ =	shalt  }
0x73: {  	_ =	shalt  }
0x74: {  	_ =	shalt  }
0x75: {  	_ =	shalt  }
0x76: {  	_ =	shalt  }
0x77: {  	_ =	shalt  }
0x78: {  	_ =	shalt  }
0x79: {  	_ =	shalt  }
0x7a: {  	_ =	shalt  }
0x7b: {  	_ =	shalt  }
0x7c: {  	_ =	shalt  }
0x7d: {  	_ =	shalt  }
0x7e: {  	_ =	shalt  }
0x7f: {  	_ =	shalt  }
0x80: {  	_ =	shalt  }
0x81: {  	_ =	shalt  }
0x82: {  	_ =	shalt  }
0x83: {  	_ =	shalt  }
0x84: {  	_ =	shalt  }
0x85: {  	_ =	shalt  }
0x86: {  	_ =	shalt  }
0x87: {  	_ =	shalt  }
.Lfunc_end0:
.L_simem_size_0:
called_computation_lowered:
.L_overlay_start_0:
0x88: {  	s2 =	sld [smem:$0x3FD9]  }
0x89: {  	s3 =	sld [smem:$0x3FFE];
	_ =	sdelay $0x1  }
0x8a: {  	s1 =	srdreg.scid  }
0x8b: {  	s0 =	sand.u32 $0x1, s1  }
0x8c: {  	s17 =	sshll.u32 s0, $0xA;
	s2 =	sadd.s32 s3, s2  }
0x8d: {  	s2 =	sadd.s32 s2, s17  }
0x8e: {  	[smem:$0x3FC0] =	sst s2  }
0x8f: {  	_ = 	snop  }
0x90: {  	s2 =	sld [smem:$0x3FC9]  }
0x91: {  	s18 =	sld [smem:$0x3FC8];
	(tm) =	ssettm $0x1  }
0x92: {  	s4 =	sld [smem:$0x3FFB];
	_ =	sdelay $0x3  }
0x93: {  	_ =	strace s4  }
0x94: {  	s4 =	sld [smem:$0x3FFC];
	_ =	sdelay $0x3  }
0x95: {  	_ =	strace s4  }
0x96: {  	s4 =	sld [smem:$0x3FFD];
	_ =	sdelay $0x3  }
0x97: {  	_ =	strace s4  }
0x98: {  	_ =	strace $0x8FFFFFFF  }
0x99: {  	s19 =	sld [smem:$0x3FDB];
	_ =	sdelay $0x1  }
0x9a: {  	s5 =	simm.s32 $_scs_section_size  }
0x9b: {  	s6 =	simm.s32 $_size__tile_overlayer_lowered;
	s7 =	simm.s32 $_tile_overlayer_lowered  }
0x9c: {  	s22 =	simm.s32 $0x1BFF;
	s21 =	sshll.u32 s7, $0x1;
	s4 =	sadd.s32 s5, s19  }
0x9d: {  	s8 =	simm.s32 $0x0;
	s20 =	sshll.u32 s6, $0x1;
	s6 =	sadd.s32 s21, s4  }
0x9e: {  	[timem:s8], [sflag:s22] =	dma.local [hbm:s6], s20  }
0x9f: {  	_ =	swait.ge [sflag:s22], s20  }
0xa0: {  	s5 =	ssub.s32 $0x0, s20;
	[sflag:s22] =	ssyncset.done $0x0  }
0xa1: {  	[sflag:s22] =	ssyncadd.s32 s5;
	_ =	sdelay $0x1  }
0xa2: {  	s23 =	simm.s32 $0x1B8B  }
0xa3: {  	_ =	swait.ge [sflag:s23], $0x1  }
0xa4: {  	[sflag:s23] =	ssyncset.done $0x0  }
0xa5: {  	s25 =	simm.s32 $0x1B8E;
	s24 =	sld [smem:$0x3FFE];
	[sflag:s23] =	ssyncadd.s32 $0xFFFFFFFF  }
0xa6: {  	s26 =	simm.s32 $execute0_lowered;
	[smem:$0x3FD2] =	sst s25  }
0xa7: {  	s6 =	sshll.u32 s26, $0x1;
	_ =	strace $0x80000046;
	[dreg:$0x1] =	wrdreg $0xFFFFFFFF  }
0xa8: {  	s28 =	simm.s32 $_size_execute0_lowered;
	s4 =	sadd.s32 s4, s6;
	[dreg:$0x0] =	wrdreg $0x0  }
0xa9: {  	s6 =	sshll.u32 s28, $0x1;
	[dreg:$0x2] =	wrdreg s4  }
0xaa: {  	[dreg:$0x3] =	wrdreg s6  }
0xab: {  	[dreg:$0x4] =	wrdreg $0xC0  }
0xac: {  	_ =	task [dreg:s8], $0x5FFFF  }
0xad: {  	[dreg:$0x1] =	wrdreg $0xFFFFFFFF  }
0xae: {  	[dreg:$0x0] =	wrdreg $0x60  }
0xaf: {  	[dreg:$0x2] =	wrdreg s2  }
0xb0: {  	[dreg:$0x3] =	wrdreg s18  }
0xb1: {  	[dreg:$0x4] =	wrdreg s24  }
0xb2: {  	[dreg:$0x5] =	wrdreg $0x183800  }
0xb3: {  	[dreg:$0x6] =	wrdreg $0x9  }
0xb4: {  	_ =	task.clear_ibuf [dreg:s8], $0x7FFFF;
	_ =	strace $0x90000046  }
0xb5: {  	s29 =	simm.s32 $0x9;
	_ =	strace $0x80000048  }
0xb6: {  	_ =	swait.ge [sflag:s29], $0x1  }
0xb7: {  	[sflag:s29] =	ssyncadd.s32 $0xFFFFFFFF  }
0xb8: {  	_ =	strace $0x90000048  }
0xb9: {  	_ =	sfence  }
0xba: {  	s30 =	sld [smem:$0x0];
	_ =	sdelay $0x2  }
0xbb: {  	s31 =	sshll.u32 s1, $0xD;
	s1 =	sshrl.u32 s1, $0x2  }
0xbc: {  	s3 =	sand.u32 $0x4000, s31;
	s1 =	sadd.s32 s1, s30  }
0xbd: {  	s0 =	sor.u32 s3, s0;
	s1 =	sshll.u32 s1, $0x11  }
0xbe: {  	s0 =	sor.u32 s1, s0  }
0xbf: {  	s0 =	sadd.s32 $0x8F2B, s0  }
0xc0: {  	[sflag:s0] =	ssyncadd.remote.s32 $0x1  }
0xc1: {  	_ =	sfence.sel $0xFFFF  }
0xc2: {  	[dreg:$0x0] =	wrdreg $0xFFFFFFFF;
	(pc) =	sbr.abs _section_cstart, $3  }
0xc3: {  	[dreg:$0x1] =	wrdreg $0xFFFFFFFF  }
0xc4: {  	_ =	task.clear_ibuf [dreg:s8], $0x2FFFF;
	_ =	strace $0x9FFFFFFF  }
0xc5: {  	(tm) =	ssettm $0x7FFFFFFF  }
tec
execute0_lowered:
.L_overlay_start_1:
0x0: {  	(tag) =	ssettag $0x1  }
0x1: {  	s0 =	rddreg [dreg:$0x0]  }
0x2: {  	s3 =	rddreg [dreg:$0x1]  }
0x3: {  	s4 =	rddreg [dreg:$0x2]  }
0x4: {  	s1 =	rddreg [dreg:$0x3];
	s2 =	simm.s32 $0x0;
	s5 =	srdreg.scid  }
0x5: {  	s11 =	stileid.u32;
	s28 =	simm.s32 $0x4000;
	s29 =	simm.s32 $0x18080  }
0x6: {  	s30 =	simm.s32 $0x8000;
	s31 =	simm.s32 $0x18100;
	[smem:$0x7FF] =	sst s2  }
0x7: {  	s6 =	sadd.s32 $0x1800, s4;
	s5 =	sand.u32 $0x1, s5;
	s15 =	sshll.u32 s11, $0xB  }
0x8: {  	s8 =	sshll.u32 s11, $0x1;
	s26 =	sshll.u32 s11, $0xE;
	_ =	strace $0x80000047  }
0x9: {  	[dreg:$0x6] =	wrdreg s6;
	s7 =	ssub.s32 $0x2, s5;
	s4 =	sadd.s32 s15, s4  }
0xa: {  	s8 =	sor.u32 s5, s8;
	s15 =	sshll.u32 s11, $0xC;
	s16 =	sshrl.u32 s7, $0x1  }
0xb: {  	s17 =	sshll.u32 s8, $0xB;
	s9 =	sshll.u32 s8, $0x4;
	s19 =	sor.u32 $0x20, s8  }
0xc: {  	s10 =	sor.u32 $0x40, s8;
	s23 =	sor.u32 $0x60, s8;
	p0 =	sgt.u32 s8, $0xC  }
0xd: {  	s6 =	ssub.s32 s7, s16;
	s7 =	sadd.s32 s0, s17;
	s18 =	sadd.s32 s3, s9  }
0xe: {  	s20 =	sshll.u32 s19, $0xB;
	s21 =	sshll.u32 s10, $0xB;
	s22 =	sshll.u32 s10, $0x4  }
0xf: {  	s24 =	sshll.u32 s23, $0xB;
	s10 =	sor.u32 $0x80, s8;
	s16 =	sshll.u32 s5, $0xF  }
0x10: {  	s17 =	sshll.u32 s5, $0xB;
	s5 =	sshll.u32 s5, $0x4;
	[dreg:$0x7] =	wrdreg s7  }
0x11: {  	p1 =	sne.s32 @!p0 s8, $0x1;
	[dreg:$0x8] =	wrdreg s18;
	s7 =	sshll.u32 s19, $0x4  }
0x12: {  	s9 =	sadd.s32 s0, s20;
	s12 =	sshll.u32 s10, $0xB;
	s4 =	sadd.s32 s16, s4  }
0x13: {  	s18 =	sor.u32 $0xA0, s8;
	s20 =	sshll.u32 s11, $0x5;
	p1 =	por p1, p0  }
0x14: {  	s16 =	simm.s32 $0x8;
	[dreg:$0x9] =	wrdreg s9;
	s7 =	sadd.s32 s3, s7  }
0x15: {  	s9 =	sshll.u32 s23, $0x4;
	s19 =	sshll.u32 s18, $0xB;
	s23 =	sadd.s32 $0x30D0, s3  }
0x16: {  	[dreg:$0xa] =	wrdreg s7;
	s7 =	sadd.s32 s0, s21;
	s25 =	sadd.s32 s3, s9  }
0x17: {  	s9 =	sshll.u32 s11, $0x6;
	s21 =	sor.u32 $0x300, s8;
	[dreg:$0x18] =	wrdreg s23  }
0x18: {  	s23 =	simm.s32 $0xD;
	s11 =	simm.s32 $0x18280;
	[dreg:$0xb] =	wrdreg s7  }
0x19: {  	s7 =	sadd.s32 s3, s22;
	[dreg:$0xe] =	wrdreg s25;
	s14 =	sor.u32 $0x1C0D, s9  }
0x1a: {  	s9 =	sshll.u32 s10, $0x4;
	s10 =	sadd.s32 s0, s19;
	[dreg:$0xc] =	wrdreg s7  }
0x1b: {  	s22 =	sshll.u32 s21, $0xB;
	s25 =	smax.u32 s6, $0x1;
	[dreg:$0x13] =	wrdreg s10  }
0x1c: {  	s6 =	simm.s32 $0x80;
	s19 =	simm.s32 $0x6;
	[dreg:$0x1a] =	wrdreg s25  }
0x1d: {  	s7 =	sadd.s32 s0, s24;
	s13 =	sadd.s32 s3, s9;
	[dreg:$0x10] =	wrdreg s14  }
0x1e: {  	s9 =	sshll.u32 s18, $0x4;
	s8 =	sadd.s32 s0, s22;
	[dreg:$0xd] =	wrdreg s7  }
0x1f: {  	s24 =	sadd.s32 $0x2000, s4;
	s10 =	simm.s32 $0x14000;
	[dreg:$0x12] =	wrdreg s13  }
0x20: {  	s18 =	simm.s32 $0x9;
	s22 =	simm.s32 $0xC;
	[dreg:$0x15] =	wrdreg s8  }
0x21: {  	s7 =	sadd.s32 s26, s1;
	s9 =	sadd.s32 s3, s9;
	[dreg:$0x19] =	wrdreg s24  }
0x22: {  	s8 =	simm.s32 $0x18200;
	s13 =	simm.s32 $0x7;
	[dreg:$0xf] =	wrdreg s7  }
0x23: {  	s24 =	simm.s32 $0x0;
	s7 =	sadd.s32 s0, s12;
	[dreg:$0x14] =	wrdreg s9  }
0x24: {  	s9 =	simm.s32 $0x2;
	s12 =	simm.s32 $0x3;
	[dreg:$0x11] =	wrdreg s7  }
0x25: {  	s7 =	sadd.s32 s15, s0;
	s0 =	sadd.s32 $0x186800, s0;
	s15 =	simm.s32 $0x4  }
0x26: {  	s7 =	sadd.s32 s17, s7;
	[dreg:$0x17] =	wrdreg s0;
	s0 =	simm.s32 $0xC000  }
0x27: {  	s17 =	simm.s32 $0x5;
	[dreg:$0x5] =	wrdreg s7;
	s7 =	sadd.s32 s20, s3  }
0x28: {  	s20 =	simm.s32 $0xA;
	s5 =	sadd.s32 s5, s7;
	s7 =	sshll.u32 s21, $0x4  }
0x29: {  	s21 =	simm.s32 $0xB;
	s7 =	sadd.s32 s3, s7;
	s26 =	sadd.s32 $0x1600, s5  }
0x2a: {  	s3 =	simm.s32 $0x18180;
	s5 =	simm.s32 $0x1;
	[dreg:$0x16] =	wrdreg s7  }
0x2b: {  	[dreg:$0x1b] =	wrdreg s26;
	s26 =	simm.s32 $0x18000;
	s7 =	simm.s32 $0x10000  }
.LBB2_1:
0x2c: {  	[dreg:$0x1c] =	wrdreg s24  }
0x2d: {  	s4 =	rddreg [dreg:$0x7]  }
0x2e: {  	s24 =	rddreg [dreg:$0x8]  }
0x2f: {  	[tilespmem:s2], [sflag:$0x1] =	stream.linear.gather [hbm4b:s4+s2], $0x4000, $0x38;
	[tilespmem:$0x1C380] =	vst v63  }
0x30: {  	s25 =	rddreg [dreg:$0x9]  }
0x31: {  	[tilespmem:s26], [sflag:$0x1] =	stream.linear.gather [hbm4b:s24+s2], $0x80, $0x38;
	[tilespmem:$0x1C380] =	vst v63  }
0x32: {  	s24 =	rddreg [dreg:$0xa]  }
0x33: {  	[tilespmem:s28], [sflag:$0x2] =	stream.linear.gather [hbm4b:s25+s2], $0x4000, $0x38;
	[tilespmem:$0x1C380] =	vst v63  }
0x34: {  	s25 =	rddreg [dreg:$0xb]  }
0x35: {  	[tilespmem:s29], [sflag:$0x2] =	stream.linear.gather [hbm4b:s24+s2], $0x80, $0x38;
	[tilespmem:$0x1C380] =	vst v63  }
0x36: {  	s24 =	rddreg [dreg:$0xc]  }
0x37: {  	[tilespmem:s30], [sflag:$0x3] =	stream.linear.gather [hbm4b:s25+s2], $0x4000, $0x38;
	[tilespmem:$0x1C380] =	vst v63  }
0x38: {  	s25 =	rddreg [dreg:$0xd]  }
0x39: {  	[tilespmem:s31], [sflag:$0x3] =	stream.linear.gather [hbm4b:s24+s2], $0x80, $0x38;
	[tilespmem:$0x1C380] =	vst v63  }
0x3a: {  	s24 =	rddreg [dreg:$0xe]  }
0x3b: {  	[tilespmem:s0], [sflag:$0x4] =	stream.linear.gather [hbm4b:s25+s2], $0x4000, $0x38;
	[tilespmem:$0x1C380] =	vst v63  }
0x3c: {  	s25 =	rddreg [dreg:$0xf]  }
0x3d: {  	s4 =	sshrl.u32 s25, $0x3;
	s25 =	rddreg [dreg:$0x6]  }
0x3e: {  	[tilespmem:s3], [sflag:$0x4] =	stream.linear.gather [hbm4b:s24+s2], $0x80, $0x38;
	[tilespmem:$0x1C380] =	vst v63  }
0x3f: {  	[dreg:$0x1d] =	wrdreg s4  }
0x40: {  	[spmem:s4], [sflag:s14] =	dma.local [hbm:s25], $0x800  }
0x41: {  	_ =	swait.ge [sflag:s23], $0x800  }
0x42: {  	[sflag:s23] =	ssyncset.done $0x0  }
0x43: {  	[sflag:s23] =	ssyncadd.s32 $0xFFFFF800  }
0x44: {  	[bflag:$0x0] =	sbarrier.arrive $0xFFFF  }
0x45: {  	_ =	swait.ge [sflag:s5], $0x4000  }
0x46: {  	[sflag:s5] =	ssyncset.done $0x0  }
0x47: {  	[sflag:s5] =	ssyncadd.s32 $0xFFFFC000  }
0x48: {  	_ =	swait.ge [sflag:s5], $0x80  }
0x49: {  	[sflag:s5] =	ssyncset.done $0x0  }
0x4a: {  	[sflag:s5] =	ssyncadd.s32 $0xFFFFFF80  }
0x4b: {  	[spmem:s1] =	stream.indirect.scatter.add.f32 [tilespmem:s2], [sflag:$0x7], $0x80, s26, s6, $0xb8;
	[tilespmem:$0x1C380] =	vst v63  }
0x4c: {  	s14 =	rddreg [dreg:$0x11]  }
0x4d: {  	[tilespmem:s7], [sflag:$0x5] =	stream.linear.gather [hbm4b:s14+s2], $0x4000, $0x38;
	[tilespmem:$0x1C380] =	vst v63  }
0x4e: {  	s23 =	rddreg [dreg:$0x12]  }
0x4f: {  	[tilespmem:s8], [sflag:$0x5] =	stream.linear.gather [hbm4b:s23+s2], $0x80, $0x38;
	[tilespmem:$0x1C380] =	vst v63  }
0x50: {  	_ =	swait.ge [sflag:s9], $0x4000  }
0x51: {  	[sflag:s9] =	ssyncset.done $0x0  }
0x52: {  	[sflag:s9] =	ssyncadd.s32 $0xFFFFC000  }
0x53: {  	_ =	swait.ge [sflag:s9], $0x80  }
0x54: {  	[sflag:s9] =	ssyncset.done $0x0  }
0x55: {  	[sflag:s9] =	ssyncadd.s32 $0xFFFFFF80  }
0x56: {  	[spmem:s1] =	stream.indirect.scatter.add.f32 [tilespmem:s28], [sflag:$0x8], $0x80, s29, s6, $0xb8;
	[tilespmem:$0x1C380] =	vst v63  }
0x57: {  	s24 =	rddreg [dreg:$0x13]  }
0x58: {  	[tilespmem:s10], [sflag:$0x6] =	stream.linear.gather [hbm4b:s24+s2], $0x4000, $0x38;
	[tilespmem:$0x1C380] =	vst v63  }
0x59: {  	s25 =	rddreg [dreg:$0x14]  }
0x5a: {  	[tilespmem:s11], [sflag:$0x6] =	stream.linear.gather [hbm4b:s25+s2], $0x80, $0x38;
	[tilespmem:$0x1C380] =	vst v63  }
0x5b: {  	_ =	swait.ge [sflag:s12], $0x4000  }
0x5c: {  	[sflag:s12] =	ssyncset.done $0x0  }
0x5d: {  	[sflag:s12] =	ssyncadd.s32 $0xFFFFC000  }
0x5e: {  	_ =	swait.ge [sflag:s12], $0x80  }
0x5f: {  	[sflag:s12] =	ssyncset.done $0x0  }
0x60: {  	[sflag:s12] =	ssyncadd.s32 $0xFFFFFF80  }
0x61: {  	[spmem:s1] =	stream.indirect.scatter.add.f32 [tilespmem:s30], [sflag:$0x9], $0x80, s31, s6, $0xb8;
	[tilespmem:$0x1C380] =	vst v63  }
0x62: {  	_ =	swait.ge [sflag:s13], $0x4000  }
0x63: {  	s14 =	rddreg [dreg:$0x5]  }
0x64: {  	[sflag:s13] =	ssyncset.done $0x0;
	s4 =	sadd.s32 $0x0, s14  }
0x65: {  	s25 =	rddreg [dreg:$0x1b];
	[sflag:s13] =	ssyncadd.s32 $0xFFFFC000;
	s23 =	sadd.s32 $0x60000, s4  }
0x66: {  	[tilespmem:s2], [sflag:$0x1] =	stream.linear.gather [hbm4b:s23+s2], $0x4000, $0x38;
	[tilespmem:$0x1C380] =	vst v63  }
0x67: {  	s24 =	sadd.s32 $0xFFFFF600, s25  }
0x68: {  	[tilespmem:s26], [sflag:$0x1] =	stream.linear.gather [hbm4b:s24+s2], $0x80, $0x38;
	[tilespmem:$0x1C380] =	vst v63  }
0x69: {  	_ =	swait.ge [sflag:s15], $0x4000  }
0x6a: {  	[sflag:s15] =	ssyncset.done $0x0  }
0x6b: {  	[sflag:s15] =	ssyncadd.s32 $0xFFFFC000  }
0x6c: {  	_ =	swait.ge [sflag:s15], $0x80  }
0x6d: {  	[sflag:s15] =	ssyncset.done $0x0  }
0x6e: {  	[sflag:s15] =	ssyncadd.s32 $0xFFFFFF80  }
0x6f: {  	[spmem:s1] =	stream.indirect.scatter.add.f32 [tilespmem:s0], [sflag:$0xA], $0x80, s3, s6, $0xb8;
	[tilespmem:$0x1C380] =	vst v63  }
0x70: {  	_ =	swait.ge [sflag:s16], $0x4000  }
0x71: {  	[sflag:s16] =	ssyncset.done $0x0  }
0x72: {  	s23 =	sadd.s32 $0x70000, s4;
	[sflag:s16] =	ssyncadd.s32 $0xFFFFC000  }
0x73: {  	[tilespmem:s28], [sflag:$0x2] =	stream.linear.gather [hbm4b:s23+s2], $0x4000, $0x38;
	[tilespmem:$0x1C380] =	vst v63  }
0x74: {  	s24 =	sadd.s32 $0xFFFFF800, s25  }
0x75: {  	[tilespmem:s29], [sflag:$0x2] =	stream.linear.gather [hbm4b:s24+s2], $0x80, $0x38;
	[tilespmem:$0x1C380] =	vst v63  }
0x76: {  	_ =	swait.ge [sflag:s17], $0x4000  }
0x77: {  	[sflag:s17] =	ssyncset.done $0x0  }
0x78: {  	[sflag:s17] =	ssyncadd.s32 $0xFFFFC000  }
0x79: {  	_ =	swait.ge [sflag:s17], $0x80  }
0x7a: {  	[sflag:s17] =	ssyncset.done $0x0  }
0x7b: {  	[sflag:s17] =	ssyncadd.s32 $0xFFFFFF80  }
0x7c: {  	[spmem:s1] =	stream.indirect.scatter.add.f32 [tilespmem:s7], [sflag:$0xB], $0x80, s8, s6, $0xb8;
	[tilespmem:$0x1C380] =	vst v63  }
0x7d: {  	_ =	swait.ge [sflag:s18], $0x4000  }
0x7e: {  	[sflag:s18] =	ssyncset.done $0x0  }
0x7f: {  	s23 =	sadd.s32 $0x80000, s4;
	[sflag:s18] =	ssyncadd.s32 $0xFFFFC000  }
0x80: {  	[tilespmem:s30], [sflag:$0x3] =	stream.linear.gather [hbm4b:s23+s2], $0x4000, $0x38;
	[tilespmem:$0x1C380] =	vst v63  }
0x81: {  	s24 =	sadd.s32 $0xFFFFFA00, s25  }
0x82: {  	[tilespmem:s31], [sflag:$0x3] =	stream.linear.gather [hbm4b:s24+s2], $0x80, $0x38;
	[tilespmem:$0x1C380] =	vst v63  }
0x83: {  	_ =	swait.ge [sflag:s19], $0x4000  }
0x84: {  	[sflag:s19] =	ssyncset.done $0x0  }
0x85: {  	[sflag:s19] =	ssyncadd.s32 $0xFFFFC000  }
0x86: {  	_ =	swait.ge [sflag:s19], $0x80  }
0x87: {  	[sflag:s19] =	ssyncset.done $0x0  }
0x88: {  	[sflag:s19] =	ssyncadd.s32 $0xFFFFFF80  }
0x89: {  	[spmem:s1] =	stream.indirect.scatter.add.f32 [tilespmem:s10], [sflag:$0xC], $0x80, s11, s6, $0xb8;
	[tilespmem:$0x1C380] =	vst v63  }
0x8a: {  	_ =	swait.ge [sflag:s20], $0x4000  }
0x8b: {  	[sflag:s20] =	ssyncset.done $0x0  }
0x8c: {  	s23 =	sadd.s32 $0x90000, s4;
	[sflag:s20] =	ssyncadd.s32 $0xFFFFC000  }
0x8d: {  	[tilespmem:s0], [sflag:$0x4] =	stream.linear.gather [hbm4b:s23+s2], $0x4000, $0x38;
	[tilespmem:$0x1C380] =	vst v63  }
0x8e: {  	s24 =	sadd.s32 $0xFFFFFC00, s25  }
0x8f: {  	[tilespmem:s3], [sflag:$0x4] =	stream.linear.gather [hbm4b:s24+s2], $0x80, $0x38;
	[tilespmem:$0x1C380] =	vst v63  }
0x90: {  	_ =	swait.ge [sflag:s5], $0x4000  }
0x91: {  	[sflag:s5] =	ssyncset.done $0x0  }
0x92: {  	[sflag:s5] =	ssyncadd.s32 $0xFFFFC000  }
0x93: {  	_ =	swait.ge [sflag:s5], $0x80  }
0x94: {  	[sflag:s5] =	ssyncset.done $0x0  }
0x95: {  	[sflag:s5] =	ssyncadd.s32 $0xFFFFFF80  }
0x96: {  	[spmem:s1] =	stream.indirect.scatter.add.f32 [tilespmem:s2], [sflag:$0x7], $0x80, s26, s6, $0xb8;
	[tilespmem:$0x1C380] =	vst v63  }
0x97: {  	_ =	swait.ge [sflag:s21], $0x4000  }
0x98: {  	[sflag:s21] =	ssyncset.done $0x0  }
0x99: {  	s23 =	sadd.s32 $0xA0000, s4;
	[sflag:s21] =	ssyncadd.s32 $0xFFFFC000  }
0x9a: {  	[tilespmem:s7], [sflag:$0x5] =	stream.linear.gather [hbm4b:s23+s2], $0x4000, $0x38;
	[tilespmem:$0x1C380] =	vst v63  }
0x9b: {  	s24 =	sadd.s32 $0xFFFFFE00, s25  }
0x9c: {  	[tilespmem:s8], [sflag:$0x5] =	stream.linear.gather [hbm4b:s24+s2], $0x80, $0x38;
	[tilespmem:$0x1C380] =	vst v63  }
0x9d: {  	_ =	swait.ge [sflag:s9], $0x4000  }
0x9e: {  	[sflag:s9] =	ssyncset.done $0x0  }
0x9f: {  	[sflag:s9] =	ssyncadd.s32 $0xFFFFC000  }
0xa0: {  	_ =	swait.ge [sflag:s9], $0x80  }
0xa1: {  	[sflag:s9] =	ssyncset.done $0x0  }
0xa2: {  	[sflag:s9] =	ssyncadd.s32 $0xFFFFFF80  }
0xa3: {  	[spmem:s1] =	stream.indirect.scatter.add.f32 [tilespmem:s28], [sflag:$0x8], $0x80, s29, s6, $0xb8;
	[tilespmem:$0x1C380] =	vst v63  }
0xa4: {  	_ =	swait.ge [sflag:s22], $0x4000  }
0xa5: {  	[sflag:s22] =	ssyncset.done $0x0  }
0xa6: {  	s4 =	sadd.s32 $0xB0000, s4;
	[sflag:s22] =	ssyncadd.s32 $0xFFFFC000  }
0xa7: {  	[tilespmem:s10], [sflag:$0x6] =	stream.linear.gather [hbm4b:s4+s2], $0x4000, $0x38;
	[tilespmem:$0x1C380] =	vst v63  }
0xa8: {  	s14 =	simm.s32 $0x60000;
	s4 =	sadd.s32 $0xC00, s25  }
.LBB2_2:
0xa9: {  	[tilespmem:s11], [sflag:$0x6] =	stream.linear.gather [hbm4b:s25+s2], $0x80, $0x38;
	[tilespmem:$0x1C380] =	vst v63  }
0xaa: {  	_ =	swait.ge [sflag:s12], $0x4000  }
0xab: {  	[sflag:s12] =	ssyncset.done $0x0  }
0xac: {  	[sflag:s12] =	ssyncadd.s32 $0xFFFFC000  }
0xad: {  	_ =	swait.ge [sflag:s12], $0x80  }
0xae: {  	[sflag:s12] =	ssyncset.done $0x0  }
0xaf: {  	[sflag:s12] =	ssyncadd.s32 $0xFFFFFF80  }
0xb0: {  	[spmem:s1] =	stream.indirect.scatter.add.f32 [tilespmem:s30], [sflag:$0x9], $0x80, s31, s6, $0xb8;
	[tilespmem:$0x1C380] =	vst v63  }
0xb1: {  	_ =	swait.ge [sflag:s13], $0x4000  }
0xb2: {  	s24 =	smov.u32 s14;
	s23 =	rddreg [dreg:$0x5]  }
0xb3: {  	[sflag:s13] =	ssyncset.done $0x0;
	s24 =	sadd.s32 s24, s23  }
0xb4: {  	[sflag:s13] =	ssyncadd.s32 $0xFFFFC000;
	s23 =	sadd.s32 $0x60000, s24  }
0xb5: {  	[tilespmem:s2], [sflag:$0x1] =	stream.linear.gather [hbm4b:s23+s2], $0x4000, $0x38;
	[tilespmem:$0x1C380] =	vst v63  }
0xb6: {  	s23 =	sadd.s32 $0xFFFFF600, s4  }
0xb7: {  	[tilespmem:s26], [sflag:$0x1] =	stream.linear.gather [hbm4b:s23+s2], $0x80, $0x38;
	[tilespmem:$0x1C380] =	vst v63  }
0xb8: {  	_ =	swait.ge [sflag:s15], $0x4000  }
0xb9: {  	[sflag:s15] =	ssyncset.done $0x0  }
0xba: {  	[sflag:s15] =	ssyncadd.s32 $0xFFFFC000  }
0xbb: {  	_ =	swait.ge [sflag:s15], $0x80  }
0xbc: {  	[sflag:s15] =	ssyncset.done $0x0  }
0xbd: {  	[sflag:s15] =	ssyncadd.s32 $0xFFFFFF80  }
0xbe: {  	[spmem:s1] =	stream.indirect.scatter.add.f32 [tilespmem:s0], [sflag:$0xA], $0x80, s3, s6, $0xb8;
	[tilespmem:$0x1C380] =	vst v63  }
0xbf: {  	_ =	swait.ge [sflag:s16], $0x4000  }
0xc0: {  	[sflag:s16] =	ssyncset.done $0x0  }
0xc1: {  	s23 =	sadd.s32 $0x70000, s24;
	[sflag:s16] =	ssyncadd.s32 $0xFFFFC000  }
0xc2: {  	[tilespmem:s28], [sflag:$0x2] =	stream.linear.gather [hbm4b:s23+s2], $0x4000, $0x38;
	[tilespmem:$0x1C380] =	vst v63  }
0xc3: {  	s23 =	sadd.s32 $0xFFFFF800, s4  }
0xc4: {  	[tilespmem:s29], [sflag:$0x2] =	stream.linear.gather [hbm4b:s23+s2], $0x80, $0x38;
	[tilespmem:$0x1C380] =	vst v63  }
0xc5: {  	_ =	swait.ge [sflag:s17], $0x4000  }
0xc6: {  	[sflag:s17] =	ssyncset.done $0x0  }
0xc7: {  	[sflag:s17] =	ssyncadd.s32 $0xFFFFC000  }
0xc8: {  	_ =	swait.ge [sflag:s17], $0x80  }
0xc9: {  	[sflag:s17] =	ssyncset.done $0x0  }
0xca: {  	[sflag:s17] =	ssyncadd.s32 $0xFFFFFF80  }
0xcb: {  	[spmem:s1] =	stream.indirect.scatter.add.f32 [tilespmem:s7], [sflag:$0xB], $0x80, s8, s6, $0xb8;
	[tilespmem:$0x1C380] =	vst v63  }
0xcc: {  	_ =	swait.ge [sflag:s18], $0x4000  }
0xcd: {  	[sflag:s18] =	ssyncset.done $0x0  }
0xce: {  	s23 =	sadd.s32 $0x80000, s24;
	[sflag:s18] =	ssyncadd.s32 $0xFFFFC000  }
0xcf: {  	[tilespmem:s30], [sflag:$0x3] =	stream.linear.gather [hbm4b:s23+s2], $0x4000, $0x38;
	[tilespmem:$0x1C380] =	vst v63  }
0xd0: {  	s23 =	sadd.s32 $0xFFFFFA00, s4  }
0xd1: {  	[tilespmem:s31], [sflag:$0x3] =	stream.linear.gather [hbm4b:s23+s2], $0x80, $0x38;
	[tilespmem:$0x1C380] =	vst v63  }
0xd2: {  	_ =	swait.ge [sflag:s19], $0x4000  }
0xd3: {  	[sflag:s19] =	ssyncset.done $0x0  }
0xd4: {  	[sflag:s19] =	ssyncadd.s32 $0xFFFFC000  }
0xd5: {  	_ =	swait.ge [sflag:s19], $0x80  }
0xd6: {  	[sflag:s19] =	ssyncset.done $0x0  }
0xd7: {  	[sflag:s19] =	ssyncadd.s32 $0xFFFFFF80  }
0xd8: {  	[spmem:s1] =	stream.indirect.scatter.add.f32 [tilespmem:s10], [sflag:$0xC], $0x80, s11, s6, $0xb8;
	[tilespmem:$0x1C380] =	vst v63  }
0xd9: {  	_ =	swait.ge [sflag:s20], $0x4000  }
0xda: {  	[sflag:s20] =	ssyncset.done $0x0  }
0xdb: {  	s23 =	sadd.s32 $0x90000, s24;
	[sflag:s20] =	ssyncadd.s32 $0xFFFFC000  }
0xdc: {  	[tilespmem:s0], [sflag:$0x4] =	stream.linear.gather [hbm4b:s23+s2], $0x4000, $0x38;
	[tilespmem:$0x1C380] =	vst v63  }
0xdd: {  	s23 =	sadd.s32 $0xFFFFFC00, s4  }
0xde: {  	[tilespmem:s3], [sflag:$0x4] =	stream.linear.gather [hbm4b:s23+s2], $0x80, $0x38;
	[tilespmem:$0x1C380] =	vst v63  }
0xdf: {  	_ =	swait.ge [sflag:s5], $0x4000  }
0xe0: {  	[sflag:s5] =	ssyncset.done $0x0  }
0xe1: {  	[sflag:s5] =	ssyncadd.s32 $0xFFFFC000  }
0xe2: {  	_ =	swait.ge [sflag:s5], $0x80  }
0xe3: {  	[sflag:s5] =	ssyncset.done $0x0  }
0xe4: {  	[sflag:s5] =	ssyncadd.s32 $0xFFFFFF80  }
0xe5: {  	[spmem:s1] =	stream.indirect.scatter.add.f32 [tilespmem:s2], [sflag:$0x7], $0x80, s26, s6, $0xb8;
	[tilespmem:$0x1C380] =	vst v63  }
0xe6: {  	_ =	swait.ge [sflag:s21], $0x4000  }
0xe7: {  	[sflag:s21] =	ssyncset.done $0x0  }
0xe8: {  	s23 =	sadd.s32 $0xA0000, s24;
	[sflag:s21] =	ssyncadd.s32 $0xFFFFC000  }
0xe9: {  	[tilespmem:s7], [sflag:$0x5] =	stream.linear.gather [hbm4b:s23+s2], $0x4000, $0x38;
	[tilespmem:$0x1C380] =	vst v63  }
0xea: {  	s23 =	sadd.s32 $0xFFFFFE00, s4  }
0xeb: {  	[tilespmem:s8], [sflag:$0x5] =	stream.linear.gather [hbm4b:s23+s2], $0x80, $0x38;
	[tilespmem:$0x1C380] =	vst v63  }
0xec: {  	_ =	swait.ge [sflag:s9], $0x4000  }
0xed: {  	[sflag:s9] =	ssyncset.done $0x0  }
0xee: {  	[sflag:s9] =	ssyncadd.s32 $0xFFFFC000  }
0xef: {  	_ =	swait.ge [sflag:s9], $0x80  }
0xf0: {  	[sflag:s9] =	ssyncset.done $0x0  }
0xf1: {  	p2 =	sne.s32 s14, $0xC0000;
	[sflag:s9] =	ssyncadd.s32 $0xFFFFFF80  }
0xf2: {  	[spmem:s1] =	stream.indirect.scatter.add.f32 [tilespmem:s28], [sflag:$0x8], $0x80, s29, s6, $0xb8;
	[tilespmem:$0x1C380] =	vst v63  }
.Ltmp0:
0xf3: {  	_ = 	snop;
	(pc) =	sbr.rel @p2 .LBB2_2-.Ltmp0, $4  }
0xf4: {  	_ =	swait.ge [sflag:s22], $0x4000  }
0xf5: {  	s25 =	smov.u32 s4;
	s14 =	sadd.s32 $0x60000, s14;
	[sflag:s22] =	ssyncset.done $0x0  }
0xf6: {  	s24 =	sadd.s32 $0xB0000, s24;
	s4 =	sadd.s32 $0xC00, s4;
	[sflag:s22] =	ssyncadd.s32 $0xFFFFC000  }
0xf7: {  	[tilespmem:s10], [sflag:$0x6] =	stream.linear.gather [hbm4b:s24+s2], $0x4000, $0x38;
	[tilespmem:$0x1C380] =	vst v63  }
0xf8: {  	[tilespmem:s11], [sflag:$0x6] =	stream.linear.gather [hbm4b:s25+s2], $0x80, $0x38;
	[tilespmem:$0x1C380] =	vst v63  }
0xf9: {  	_ =	swait.ge [sflag:s12], $0x4000  }
0xfa: {  	[sflag:s12] =	ssyncset.done $0x0  }
0xfb: {  	[sflag:s12] =	ssyncadd.s32 $0xFFFFC000  }
0xfc: {  	_ =	swait.ge [sflag:s12], $0x80  }
0xfd: {  	[sflag:s12] =	ssyncset.done $0x0  }
0xfe: {  	s4 =	simm.s32 @!p0 $0x7;
	[sflag:s12] =	ssyncadd.s32 $0xFFFFFF80  }
0xff: {  	[spmem:s1] =	stream.indirect.scatter.add.f32 [tilespmem:s30], [sflag:$0x9], $0x80, s31, s6, $0xb8;
	[tilespmem:$0x1C380] =	vst v63  }
0x100: {  	_ =	swait.ge @!p0 [sflag:s4], $0x4000  }
0x101: {  	[sflag:s4] =	ssyncset.done @!p0 $0x0  }
0x102: {  	s14 =	simm.s32 @!p0 $0x0;
	s23 =	rddreg [dreg:$0x15];
	[sflag:s4] =	ssyncadd.s32 @!p0 $0xFFFFC000  }
0x103: {  	[tilespmem:s14], [sflag:$0x1] =	stream.linear.gather @!p0 [hbm4b:s23+s14], $0x4000, $0x38;
	[tilespmem:$0x1C380] =	vst v63  }
0x104: {  	s24 =	rddreg [dreg:$0x16];
	s23 =	simm.s32 @!p0 $0x18000  }
0x105: {  	[tilespmem:s23], [sflag:$0x1] =	stream.linear.gather @!p0 [hbm4b:s24+s14], $0x80, $0x38;
	[tilespmem:$0x1C380] =	vst v63  }
0x106: {  	_ =	swait.ge [sflag:s15], $0x4000  }
0x107: {  	[sflag:s15] =	ssyncset.done $0x0  }
0x108: {  	[sflag:s15] =	ssyncadd.s32 $0xFFFFC000  }
0x109: {  	_ =	swait.ge [sflag:s15], $0x80  }
0x10a: {  	[sflag:s15] =	ssyncset.done $0x0  }
0x10b: {  	[sflag:s15] =	ssyncadd.s32 $0xFFFFFF80  }
0x10c: {  	[spmem:s1] =	stream.indirect.scatter.add.f32 [tilespmem:s0], [sflag:$0xA], $0x80, s3, s6, $0xb8;
	[tilespmem:$0x1C380] =	vst v63  }
0x10d: {  	_ =	swait.ge [sflag:s17], $0x4000  }
0x10e: {  	[sflag:s17] =	ssyncset.done $0x0  }
0x10f: {  	[sflag:s17] =	ssyncadd.s32 $0xFFFFC000  }
0x110: {  	_ =	swait.ge [sflag:s17], $0x80  }
0x111: {  	[sflag:s17] =	ssyncset.done $0x0  }
0x112: {  	[sflag:s17] =	ssyncadd.s32 $0xFFFFFF80  }
0x113: {  	[spmem:s1] =	stream.indirect.scatter.add.f32 [tilespmem:s7], [sflag:$0xB], $0x80, s8, s6, $0xb8;
	[tilespmem:$0x1C380] =	vst v63  }
0x114: {  	_ =	swait.ge [sflag:s19], $0x4000  }
0x115: {  	[sflag:s19] =	ssyncset.done $0x0  }
0x116: {  	[sflag:s19] =	ssyncadd.s32 $0xFFFFC000  }
0x117: {  	_ =	swait.ge [sflag:s19], $0x80  }
0x118: {  	[sflag:s19] =	ssyncset.done $0x0  }
0x119: {  	s24 =	simm.s32 @p0 $0x7;
	[sflag:s19] =	ssyncadd.s32 $0xFFFFFF80  }
0x11a: {  	[spmem:s1] =	stream.indirect.scatter.add.f32 [tilespmem:s10], [sflag:$0xC], $0x80, s11, s6, $0xb8;
	[tilespmem:$0x1C380] =	vst v63  }
0x11b: {  	_ =	swait.ge @p0 [sflag:s24], $0x4000  }
0x11c: {  	[sflag:s24] =	ssyncset.done @p0 $0x0  }
0x11d: {  	[sflag:s24] =	ssyncadd.s32 @p0 $0xFFFFC000;
	s24 =	simm.s32 @!p0 $0x1  }
0x11e: {  	_ =	swait.ge @!p0 [sflag:s24], $0x4000  }
0x11f: {  	[sflag:s24] =	ssyncset.done @!p0 $0x0  }
0x120: {  	[sflag:s24] =	ssyncadd.s32 @!p0 $0xFFFFC000  }
0x121: {  	_ =	swait.ge @!p0 [sflag:s24], $0x80  }
0x122: {  	[sflag:s24] =	ssyncset.done @!p0 $0x0  }
0x123: {  	[sflag:s24] =	ssyncadd.s32 @!p0 $0xFFFFFF80;
	s24 =	simm.s32 @!p0 $0x80  }
0x124: {  	[spmem:s1] =	stream.indirect.scatter.add.f32 @!p0 [tilespmem:s14], [sflag:$0x7], $0x80, s23, s24, $0xb8;
	[tilespmem:$0x1C380] =	vst v63  }
0x125: {  	_ =	swait.ge [sflag:s16], $0x4000  }
0x126: {  	[sflag:s16] =	ssyncset.done $0x0  }
0x127: {  	[sflag:s16] =	ssyncadd.s32 $0xFFFFC000  }
0x128: {  	_ =	swait.ge [sflag:s18], $0x4000  }
0x129: {  	[sflag:s18] =	ssyncset.done $0x0  }
0x12a: {  	[sflag:s18] =	ssyncadd.s32 $0xFFFFC000  }
0x12b: {  	_ =	swait.ge [sflag:s20], $0x4000  }
0x12c: {  	[sflag:s20] =	ssyncset.done $0x0  }
0x12d: {  	[sflag:s20] =	ssyncadd.s32 $0xFFFFC000  }
0x12e: {  	_ =	swait.ge [sflag:s21], $0x4000  }
0x12f: {  	[sflag:s21] =	ssyncset.done $0x0  }
0x130: {  	[sflag:s21] =	ssyncadd.s32 $0xFFFFC000  }
0x131: {  	_ =	swait.ge [sflag:s22], $0x4000  }
0x132: {  	[sflag:s22] =	ssyncset.done $0x0  }
0x133: {  	[sflag:s22] =	ssyncadd.s32 $0xFFFFC000  }
0x134: {  	_ =	swait.ge @!p0 [sflag:s4], $0x4000  }
0x135: {  	[sflag:s4] =	ssyncset.done @!p0 $0x0  }
0x136: {  	s14 =	rddreg [dreg:$0x17];
	[sflag:s4] =	ssyncadd.s32 @!p0 $0xFFFFC000;
	s4 =	simm.s32 @!p1 $0x0  }
0x137: {  	[tilespmem:s4], [sflag:$0xD] =	stream.linear.gather @!p1 [hbm4b:s14+s4], $0x1000, $0x38;
	[tilespmem:$0x1C380] =	vst v63  }
0x138: {  	s14 =	simm.s32 @!p1 $0xD  }
0x139: {  	_ =	swait.ge @!p1 [sflag:s14], $0x1000  }
0x13a: {  	[sflag:s14] =	ssyncset.done @!p1 $0x0  }
0x13b: {  	s23 =	simm.s32 @!p1 $0x18300;
	s24 =	rddreg [dreg:$0x18];
	[sflag:s14] =	ssyncadd.s32 @!p1 $0xFFFFF000  }
0x13c: {  	[tilespmem:s23], [sflag:$0xD] =	stream.linear.gather @!p1 [hbm4b:s24+s4], $0x20, $0x38;
	[tilespmem:$0x1C380] =	vst v63  }
0x13d: {  	_ =	swait.ge @!p1 [sflag:s14], $0x20  }
0x13e: {  	[sflag:s14] =	ssyncset.done @!p1 $0x0  }
0x13f: {  	s24 =	simm.s32 @!p1 $0x20;
	[sflag:s14] =	ssyncadd.s32 @!p1 $0xFFFFFFE0  }
0x140: {  	[spmem:s1] =	stream.indirect.scatter.add.f32 @!p1 [tilespmem:s4], [sflag:$0xD], $0x80, s23, s24, $0xb8;
	[tilespmem:$0x1C380] =	vst v63  }
0x141: {  	_ =	swait.ge @!p1 [sflag:s14], $0x1000  }
0x142: {  	[sflag:s14] =	ssyncset.done @!p1 $0x0  }
0x143: {  	[sflag:s14] =	ssyncadd.s32 @!p1 $0xFFFFF000  }
0x144: {  	[bflag:$0x0] =	sbarrier.arrive $0xFFFF  }
0x145: {  	s14 =	rddreg [dreg:$0x10]  }
0x146: {  	s24 =	rddreg [dreg:$0x19]  }
0x147: {  	s23 =	simm.s32 $0xD;
	s25 =	rddreg [dreg:$0x1d]  }
0x148: {  	[hbm:s24], [sflag:s14] =	dma.local [spmem:s25], $0x800  }
0x149: {  	_ =	swait.ge [sflag:s23], $0x800  }
0x14a: {  	s4 =	rddreg [dreg:$0x1c]  }
0x14b: {  	s25 =	rddreg [dreg:$0x1a];
	s24 =	sadd.s32 $0x1, s4  }
0x14c: {  	p2 =	sne.s32 s24, s25  }
.Ltmp1:
0x14d: {  	_ = 	snop;
	(pc) =	sbr.rel @p2 .LBB2_1-.Ltmp1, $3  }
0x14e: {  	_ =	sdelay $0x1  }
0x14f: {  	[sflag:s23] =	ssyncset.done $0x0  }
0x150: {  	[sflag:s23] =	ssyncadd.s32 $0xFFFFF800  }
0x151: {  	_ =	sfence.sel $0x180000  }
0x152: {  	[bflag:$0x0] =	sbarrier.arrive $0xFFFF  }
0x153: {  	_ =	strace $0x90000047  }
0x154: {  	s0 =	stileid.u32;
	[bflag:$0x2] =	sbarrier.arrive $0xFFFF  }
0x155: {  	p0 =	sne.s32 s0, $0x0;
	s0 =	rddreg [dreg:$0x4]  }
0x156: {  	s0 =	sadd.s32 @!p0 $0x100000, s0  }
0x157: {  	[sflag:s0] =	ssyncadd.tile.s32 @!p0 $0x1;
	_ =	shalt  }
.Lfunc_end2:
_tile_overlayer_lowered:
.L_overlay_start_2:
0x158: {  	(tag) =	ssettag $0x2  }
0x159: {  	s0 =	rddreg [dreg:$0x0];
	s2 =	stileid.u32  }
0x15a: {  	s1 =	rddreg [dreg:$0x1];
	p0 =	sne.s32 s2, $0x0  }
0x15b: {  	s3 =	rddreg [dreg:$0x2];
	[bflag:$0x3] =	sbarrier.arrive $0xFFFF;
	s2 =	simm.s32 @!p0 $0x1C0D  }
0x15c: {  	[timem:s3], [sflag:s2] =	dma.local @!p0 [hbm:s0], s1  }
0x15d: {  	s0 =	simm.s32 @!p0 $0xD  }
0x15e: {  	_ =	swait.ge @!p0 [sflag:s0], s1  }
0x15f: {  	s1 =	ssub.s32 @!p0 $0x0, s1;
	[sflag:s0] =	ssyncset.done @!p0 $0x0  }
0x160: {  	[sflag:s0] =	ssyncadd.s32 @!p0 s1  }
0x161: {  	[bflag:$0x3] =	sbarrier.arrive $0xFFFF  }
0x162: {  	_ =	shalt  }

</sc_bundles>
